<compile_context>
chip_gen: v7x
topology: tpu7x:2x2x1
jax: 0.10.2.dev20260603
libtpu: 0.0.44.dev20260713+nightly
codegen_flags: <defaults>
</compile_context>

<pallas_src>
import functools

import jax
import jax.numpy as jnp
from jax import lax
from jax.experimental import pallas as pl
from jax.experimental.pallas import tpu as pltpu
from jax.experimental.pallas import tpu_sc as plsc

NUM_CORES = 2
NUM_SUBCORES = 16
NW = NUM_CORES * NUM_SUBCORES

CHUNK = 8
NBUF = 6
AHEAD = 4


@functools.cache
def _build(b: int, v: int, d: int):
  bpw = b // NW
  nch = bpw // CHUNK

  mesh = plsc.VectorSubcoreMesh(
      core_axis_name="c", subcore_axis_name="s",
      num_cores=NUM_CORES, num_subcores=NUM_SUBCORES)

  @functools.partial(
      pl.kernel,
      out_type=jax.ShapeDtypeStruct((b, d), jnp.float32),
      mesh=mesh,
      scratch_types=[
          pltpu.VMEM((bpw,), jnp.int32),
          pltpu.VMEM((NBUF, CHUNK, d), jnp.float32),
          pltpu.SemaphoreType.DMA,
          pltpu.SemaphoreType.DMA,
      ],
  )
  def gather_kernel(idx_hbm, table_hbm, out_hbm, idx_v, buf_v, gsem, osem):
    wid = lax.axis_index("s") * NUM_CORES + lax.axis_index("c")
    base = wid * bpw
    pltpu.sync_copy(idx_hbm.at[pl.ds(base, bpw)], idx_v)

    def gather(chunk, slot):
      pltpu.async_copy(
          table_hbm.at[idx_v.at[pl.ds(chunk * CHUNK, CHUNK)]],
          buf_v.at[slot], gsem)

    def wait_gather(slot):
      pltpu.make_async_copy(
          table_hbm.at[idx_v.at[pl.ds(0, CHUNK)]], buf_v.at[slot], gsem
      ).wait()

    def store(chunk, slot):
      pltpu.async_copy(
          buf_v.at[slot], out_hbm.at[pl.ds(base + chunk * CHUNK, CHUNK)],
          osem)

    def wait_store(slot):
      pltpu.make_async_copy(
          buf_v.at[slot], out_hbm.at[pl.ds(base, CHUNK)], osem).wait()

    for k in range(min(AHEAD, nch)):
      gather(k, k)

    hi = ((nch + NBUF - 1) // NBUF) * NBUF

    @pl.loop(0, hi, step=NBUF)
    def _(j):
      for s in range(NBUF):
        cur = j + s
        @pl.when(cur < nch)
        def _():
          wait_gather(s)
          store(cur, s)
        @pl.when((cur + AHEAD < nch) & (cur >= NBUF - AHEAD))
        def _():
          wait_store((s + AHEAD) % NBUF)
        @pl.when(cur + AHEAD < nch)
        def _():
          gather(cur + AHEAD, (s + AHEAD) % NBUF)

    for k in range(max(0, nch - NBUF), nch):
      wait_store(k % NBUF)

  return gather_kernel


@jax.jit
def kernel(input_ids, embedding_weight):
  batch, seq = input_ids.shape
  v, d = embedding_weight.shape
  ids = input_ids.reshape(-1).astype(jnp.int32)
  out = _build(batch * seq, v, d)(ids, embedding_weight)
  return out.reshape(batch, seq, d)

# --- scband reference (transcript-rebuilt; emitter-appended) ---
"""Pipeline reference for scband-qwen3-embedding-7876970021300 (READ-ONLY COPY).

The authoritative reference and input builder live on the scoring server;
editing this copy changes nothing except your own understanding.
"""

import jax, jax.numpy as jnp
import numpy as np

VOCAB = 151936
HIDDEN = 2048
BATCH = 4
SEQ = 8192

def setup_inputs(seed: int = 0) -> dict:
    key = jax.random.key(seed)
    k_ids, k_tab = jax.random.split(key)
    input_ids = jax.random.randint(k_ids, (BATCH, SEQ), 0, VOCAB, dtype=jnp.int64 if jax.config.jax_enable_x64 else jnp.int32)
    embedding_weight = jax.random.normal(k_tab, (VOCAB, HIDDEN), dtype=jnp.float32) * 0.02
    return {"input_ids": input_ids, "embedding_weight": embedding_weight}

def reference(input_ids, embedding_weight):
    # nn.Embedding forward: row gather from the table
    return jnp.take(embedding_weight, input_ids, axis=0)

if __name__ == "__main__":
    import jax
    _d = setup_inputs()
    print(jax.jit(kernel)(*tuple(_d.values())))

</pallas_src>

<mosaic_0001>
#map = affine_map<(d0, d1) -> (0)>
#map1 = affine_map<(d0, d1) -> (0, 0)>
module attributes {stable_mosaic.version = 14 : i64} {
  func.func @gather_kernel(%arg0: i32, %arg1: i32, %arg2: memref<32768xi32, #tpu.memory_space<hbm>>, %arg3: memref<151936x2048xf32, #tpu.memory_space<hbm>>, %arg4: memref<32768x2048xf32, #tpu.memory_space<hbm>>, %arg5: memref<1024xi32, #tpu.memory_space<vmem>>, %arg6: memref<6x8x2048xf32, #tpu.memory_space<vmem>>, %arg7: memref<!tpu.dma_semaphore, #tpu.memory_space<semaphore_mem>>, %arg8: memref<!tpu.dma_semaphore, #tpu.memory_space<semaphore_mem>>) attributes {dimension_semantics = [#tpu.dimension_semantics<core_parallel>, #tpu.dimension_semantics<subcore_parallel>], iteration_bounds = array<i64: 2, 16>, scalar_prefetch = 0 : i64, scratch_operands = 4 : i64, tpu.core_type = #tpu.core_type<sc_vector_subcore>, window_params = [{transform_indices = #map}, {transform_indices = #map1}, {transform_indices = #map1}]} {
    %mul3A = arith.constant 2 : i32
    %mul3A_0 = arith.muli %arg1, %mul3A : i32
    %add3A = arith.addi %mul3A_0, %arg0 : i32
    %mul3A_1 = arith.constant 1024 : i32
    %mul3A_2 = arith.muli %add3A, %mul3A_1 : i32
    "tpu.region"() ({
      %run_scoped3A = tpu.sem_alloc : memref<!tpu.dma_semaphore, #tpu.memory_space<semaphore_mem>>
      %dma_start3A_123 = tpu.memref_slice %arg2[%mul3A_2] : memref<32768xi32, #tpu.memory_space<hbm>> -> memref<1024xi32, #tpu.memory_space<hbm>>
      %dma_start3A_124 = tpu.memref_slice %arg2[%mul3A_2] : memref<32768xi32, #tpu.memory_space<hbm>> -> memref<1024xi32, #tpu.memory_space<hbm>>
      tpu.enqueue_dma source(%dma_start3A_124 : memref<1024xi32, #tpu.memory_space<hbm>>) target(%arg5 : memref<1024xi32, #tpu.memory_space<vmem>>) target_semaphore(%run_scoped3A : memref<!tpu.dma_semaphore, #tpu.memory_space<semaphore_mem>>)
      %dma_wait3A_125 = tpu.memref_slice %arg2[%mul3A_2] : memref<32768xi32, #tpu.memory_space<hbm>> -> memref<1024xi32, #tpu.memory_space<hbm>>
      %dma_wait3A_126 = tpu.memref_slice %arg2[%mul3A_2] : memref<32768xi32, #tpu.memory_space<hbm>> -> memref<1024xi32, #tpu.memory_space<hbm>>
      tpu.wait_dma2 semaphore(%run_scoped3A : memref<!tpu.dma_semaphore, #tpu.memory_space<semaphore_mem>>) src(%dma_wait3A_126 : memref<1024xi32, #tpu.memory_space<hbm>>) dst(%arg5 : memref<1024xi32, #tpu.memory_space<vmem>>)
      tpu.yield
    }) : () -> ()
    %dma_start3A = arith.constant 0 : i32
    %dma_start3A_3 = arith.constant 0 : i32
    %dma_start3A_4 = arith.constant 0 : i32
    %dma_start3A_5 = tpu.memref_slice %arg6[%dma_start3A, %dma_start3A_3, %dma_start3A_4] : memref<6x8x2048xf32, #tpu.memory_space<vmem>> -> memref<1x8x2048xf32, #tpu.memory_space<vmem>>
    %dma_start3A_6 = tpu.memref_squeeze %dma_start3A_5 : memref<1x8x2048xf32, #tpu.memory_space<vmem>> -> memref<8x2048xf32, #tpu.memory_space<vmem>>
    %dma_start3A_7 = arith.constant 0 : i32
    %dma_start3A_8 = tpu.memref_slice %arg5[%dma_start3A_7] : memref<1024xi32, #tpu.memory_space<vmem>> -> memref<8xi32, #tpu.memory_space<vmem>>
    %dma_start3A_9 = arith.constant 0 : i32
    %dma_start3A_10 = arith.constant 0 : i32
    %dma_start3A_11 = tpu.memref_slice %arg3[%dma_start3A_9, %dma_start3A_10] : memref<151936x2048xf32, #tpu.memory_space<hbm>> -> memref<151936x2048xf32, #tpu.memory_space<hbm>>
    tpu.enqueue_indirect_dma source(%dma_start3A_11 : memref<151936x2048xf32, #tpu.memory_space<hbm>>) target(%dma_start3A_6 : memref<8x2048xf32, #tpu.memory_space<vmem>>) offsets(%dma_start3A_8 : memref<8xi32, #tpu.memory_space<vmem>>) semaphore(%arg7 : memref<!tpu.dma_semaphore, #tpu.memory_space<semaphore_mem>>)
    %dma_start3A_12 = arith.constant 1 : i32
    %dma_start3A_13 = arith.constant 0 : i32
    %dma_start3A_14 = arith.constant 0 : i32
    %dma_start3A_15 = tpu.memref_slice %arg6[%dma_start3A_12, %dma_start3A_13, %dma_start3A_14] : memref<6x8x2048xf32, #tpu.memory_space<vmem>> -> memref<1x8x2048xf32, #tpu.memory_space<vmem>>
    %dma_start3A_16 = tpu.memref_squeeze %dma_start3A_15 : memref<1x8x2048xf32, #tpu.memory_space<vmem>> -> memref<8x2048xf32, #tpu.memory_space<vmem>>
    %dma_start3A_17 = arith.constant 8 : i32
    %dma_start3A_18 = tpu.memref_slice %arg5[%dma_start3A_17] : memref<1024xi32, #tpu.memory_space<vmem>> -> memref<8xi32, #tpu.memory_space<vmem>>
    %dma_start3A_19 = arith.constant 0 : i32
    %dma_start3A_20 = arith.constant 0 : i32
    %dma_start3A_21 = tpu.memref_slice %arg3[%dma_start3A_19, %dma_start3A_20] : memref<151936x2048xf32, #tpu.memory_space<hbm>> -> memref<151936x2048xf32, #tpu.memory_space<hbm>>
    tpu.enqueue_indirect_dma source(%dma_start3A_21 : memref<151936x2048xf32, #tpu.memory_space<hbm>>) target(%dma_start3A_16 : memref<8x2048xf32, #tpu.memory_space<vmem>>) offsets(%dma_start3A_18 : memref<8xi32, #tpu.memory_space<vmem>>) semaphore(%arg7 : memref<!tpu.dma_semaphore, #tpu.memory_space<semaphore_mem>>)
    %dma_start3A_22 = arith.constant 2 : i32
    %dma_start3A_23 = arith.constant 0 : i32
    %dma_start3A_24 = arith.constant 0 : i32
    %dma_start3A_25 = tpu.memref_slice %arg6[%dma_start3A_22, %dma_start3A_23, %dma_start3A_24] : memref<6x8x2048xf32, #tpu.memory_space<vmem>> -> memref<1x8x2048xf32, #tpu.memory_space<vmem>>
    %dma_start3A_26 = tpu.memref_squeeze %dma_start3A_25 : memref<1x8x2048xf32, #tpu.memory_space<vmem>> -> memref<8x2048xf32, #tpu.memory_space<vmem>>
    %dma_start3A_27 = arith.constant 16 : i32
    %dma_start3A_28 = tpu.memref_slice %arg5[%dma_start3A_27] : memref<1024xi32, #tpu.memory_space<vmem>> -> memref<8xi32, #tpu.memory_space<vmem>>
    %dma_start3A_29 = arith.constant 0 : i32
    %dma_start3A_30 = arith.constant 0 : i32
    %dma_start3A_31 = tpu.memref_slice %arg3[%dma_start3A_29, %dma_start3A_30] : memref<151936x2048xf32, #tpu.memory_space<hbm>> -> memref<151936x2048xf32, #tpu.memory_space<hbm>>
    tpu.enqueue_indirect_dma source(%dma_start3A_31 : memref<151936x2048xf32, #tpu.memory_space<hbm>>) target(%dma_start3A_26 : memref<8x2048xf32, #tpu.memory_space<vmem>>) offsets(%dma_start3A_28 : memref<8xi32, #tpu.memory_space<vmem>>) semaphore(%arg7 : memref<!tpu.dma_semaphore, #tpu.memory_space<semaphore_mem>>)
    %dma_start3A_32 = arith.constant 3 : i32
    %dma_start3A_33 = arith.constant 0 : i32
    %dma_start3A_34 = arith.constant 0 : i32
    %dma_start3A_35 = tpu.memref_slice %arg6[%dma_start3A_32, %dma_start3A_33, %dma_start3A_34] : memref<6x8x2048xf32, #tpu.memory_space<vmem>> -> memref<1x8x2048xf32, #tpu.memory_space<vmem>>
    %dma_start3A_36 = tpu.memref_squeeze %dma_start3A_35 : memref<1x8x2048xf32, #tpu.memory_space<vmem>> -> memref<8x2048xf32, #tpu.memory_space<vmem>>
    %dma_start3A_37 = arith.constant 24 : i32
    %dma_start3A_38 = tpu.memref_slice %arg5[%dma_start3A_37] : memref<1024xi32, #tpu.memory_space<vmem>> -> memref<8xi32, #tpu.memory_space<vmem>>
    %dma_start3A_39 = arith.constant 0 : i32
    %dma_start3A_40 = arith.constant 0 : i32
    %dma_start3A_41 = tpu.memref_slice %arg3[%dma_start3A_39, %dma_start3A_40] : memref<151936x2048xf32, #tpu.memory_space<hbm>> -> memref<151936x2048xf32, #tpu.memory_space<hbm>>
    tpu.enqueue_indirect_dma source(%dma_start3A_41 : memref<151936x2048xf32, #tpu.memory_space<hbm>>) target(%dma_start3A_36 : memref<8x2048xf32, #tpu.memory_space<vmem>>) offsets(%dma_start3A_38 : memref<8xi32, #tpu.memory_space<vmem>>) semaphore(%arg7 : memref<!tpu.dma_semaphore, #tpu.memory_space<semaphore_mem>>)
    %scan3A = arith.constant 0 : i32
    %scan3A_42 = arith.constant 22 : i32
    %scan3A_43 = arith.addi %scan3A, %scan3A_42 : i32
    %scan3A_44 = arith.constant 1 : i32
    scf.for %scan3A_123 = %scan3A to %scan3A_43 step %scan3A_44  : i32 {
      %mul3A_124 = arith.constant 6 : i32
      %mul3A_125 = arith.muli %scan3A_123, %mul3A_124 : i32
      %add3A_126 = arith.constant 0 : i32
      %add3A_127 = arith.addi %add3A_126, %mul3A_125 : i32
      %add3A_128 = arith.constant 0 : i32
      %add3A_129 = arith.addi %add3A_127, %add3A_128 : i32
      %lt3A = arith.constant 128 : i32
      %lt3A_130 = arith.cmpi slt, %add3A_129, %lt3A : i32
      %convert_element_type3A = arith.extui %lt3A_130 : i1 to i32
      %cond3A = arith.constant 0 : i32
      %cond3A_131 = arith.cmpi ne, %convert_element_type3A, %cond3A : i32
      scf.if %cond3A_131 {
        %dma_wait3A_267 = arith.constant 0 : i32
        %dma_wait3A_268 = arith.constant 0 : i32
        %dma_wait3A_269 = arith.constant 0 : i32
        %dma_wait3A_270 = tpu.memref_slice %arg6[%dma_wait3A_267, %dma_wait3A_268, %dma_wait3A_269] : memref<6x8x2048xf32, #tpu.memory_space<vmem>> -> memref<1x8x2048xf32, #tpu.memory_space<vmem>>
        %dma_wait3A_271 = tpu.memref_squeeze %dma_wait3A_270 : memref<1x8x2048xf32, #tpu.memory_space<vmem>> -> memref<8x2048xf32, #tpu.memory_space<vmem>>
        %dma_wait3A_272 = arith.constant 0 : i32
        %dma_wait3A_273 = tpu.memref_slice %arg5[%dma_wait3A_272] : memref<1024xi32, #tpu.memory_space<vmem>> -> memref<8xi32, #tpu.memory_space<vmem>>
        %dma_wait3A_274 = arith.constant 0 : i32
        %dma_wait3A_275 = arith.constant 0 : i32
        %dma_wait3A_276 = tpu.memref_slice %arg3[%dma_wait3A_274, %dma_wait3A_275] : memref<151936x2048xf32, #tpu.memory_space<hbm>> -> memref<151936x2048xf32, #tpu.memory_space<hbm>>
        tpu.wait_indirect_dma semaphore(%arg7 : memref<!tpu.dma_semaphore, #tpu.memory_space<semaphore_mem>>) src(%dma_wait3A_276 : memref<151936x2048xf32, #tpu.memory_space<hbm>>) dst(%dma_wait3A_271 : memref<8x2048xf32, #tpu.memory_space<vmem>>)
        %mul3A_277 = arith.constant 8 : i32
        %mul3A_278 = arith.muli %add3A_129, %mul3A_277 : i32
        %add3A_279 = arith.addi %mul3A_2, %mul3A_278 : i32
        %dma_start3A_280 = arith.constant 0 : i32
        %dma_start3A_281 = arith.constant 0 : i32
        %dma_start3A_282 = arith.constant 0 : i32
        %dma_start3A_283 = tpu.memref_slice %arg6[%dma_start3A_280, %dma_start3A_281, %dma_start3A_282] : memref<6x8x2048xf32, #tpu.memory_space<vmem>> -> memref<1x8x2048xf32, #tpu.memory_space<vmem>>
        %dma_start3A_284 = tpu.memref_squeeze %dma_start3A_283 : memref<1x8x2048xf32, #tpu.memory_space<vmem>> -> memref<8x2048xf32, #tpu.memory_space<vmem>>
        %dma_start3A_285 = arith.constant 0 : i32
        %dma_start3A_286 = tpu.memref_slice %arg4[%add3A_279, %dma_start3A_285] : memref<32768x2048xf32, #tpu.memory_space<hbm>> -> memref<8x2048xf32, #tpu.memory_space<hbm>>
        %dma_start3A_287 = arith.constant 0 : i32
        %dma_start3A_288 = tpu.memref_slice %arg4[%add3A_279, %dma_start3A_287] : memref<32768x2048xf32, #tpu.memory_space<hbm>> -> memref<8x2048xf32, #tpu.memory_space<hbm>>
        %dma_start3A_289 = arith.constant 0 : i32
        %dma_start3A_290 = arith.constant 0 : i32
        %dma_start3A_291 = tpu.memref_slice %arg6[%dma_start3A_280, %dma_start3A_289, %dma_start3A_290] : memref<6x8x2048xf32, #tpu.memory_space<vmem>> -> memref<1x8x2048xf32, #tpu.memory_space<vmem>>
        %dma_start3A_292 = tpu.memref_squeeze %dma_start3A_291 : memref<1x8x2048xf32, #tpu.memory_space<vmem>> -> memref<8x2048xf32, #tpu.memory_space<vmem>>
        tpu.enqueue_dma source(%dma_start3A_292 : memref<8x2048xf32, #tpu.memory_space<vmem>>) target(%dma_start3A_288 : memref<8x2048xf32, #tpu.memory_space<hbm>>) target_semaphore(%arg8 : memref<!tpu.dma_semaphore, #tpu.memory_space<semaphore_mem>>)
      } else {
      }
      %add3A_132 = arith.constant 4 : i32
      %add3A_133 = arith.addi %add3A_129, %add3A_132 : i32
      %lt3A_134 = arith.constant 128 : i32
      %lt3A_135 = arith.cmpi slt, %add3A_133, %lt3A_134 : i32
      %ge3A = arith.constant 2 : i32
      %ge3A_136 = arith.cmpi sge, %add3A_129, %ge3A : i32
      %and3A = arith.andi %lt3A_135, %ge3A_136 : i1
      %convert_element_type3A_137 = arith.extui %and3A : i1 to i32
      %cond3A_138 = arith.constant 0 : i32
      %cond3A_139 = arith.cmpi ne, %convert_element_type3A_137, %cond3A_138 : i32
      scf.if %cond3A_139 {
        %dma_wait3A_267 = arith.constant 4 : i32
        %dma_wait3A_268 = arith.constant 0 : i32
        %dma_wait3A_269 = arith.constant 0 : i32
        %dma_wait3A_270 = tpu.memref_slice %arg6[%dma_wait3A_267, %dma_wait3A_268, %dma_wait3A_269] : memref<6x8x2048xf32, #tpu.memory_space<vmem>> -> memref<1x8x2048xf32, #tpu.memory_space<vmem>>
        %dma_wait3A_271 = tpu.memref_squeeze %dma_wait3A_270 : memref<1x8x2048xf32, #tpu.memory_space<vmem>> -> memref<8x2048xf32, #tpu.memory_space<vmem>>
        %dma_wait3A_272 = arith.constant 0 : i32
        %dma_wait3A_273 = tpu.memref_slice %arg4[%mul3A_2, %dma_wait3A_272] : memref<32768x2048xf32, #tpu.memory_space<hbm>> -> memref<8x2048xf32, #tpu.memory_space<hbm>>
        %dma_wait3A_274 = arith.constant 0 : i32
        %dma_wait3A_275 = tpu.memref_slice %arg4[%mul3A_2, %dma_wait3A_274] : memref<32768x2048xf32, #tpu.memory_space<hbm>> -> memref<8x2048xf32, #tpu.memory_space<hbm>>
        %dma_wait3A_276 = arith.constant 0 : i32
        %dma_wait3A_277 = arith.constant 0 : i32
        %dma_wait3A_278 = tpu.memref_slice %arg6[%dma_wait3A_267, %dma_wait3A_276, %dma_wait3A_277] : memref<6x8x2048xf32, #tpu.memory_space<vmem>> -> memref<1x8x2048xf32, #tpu.memory_space<vmem>>
        %dma_wait3A_279 = tpu.memref_squeeze %dma_wait3A_278 : memref<1x8x2048xf32, #tpu.memory_space<vmem>> -> memref<8x2048xf32, #tpu.memory_space<vmem>>
        tpu.wait_dma2 semaphore(%arg8 : memref<!tpu.dma_semaphore, #tpu.memory_space<semaphore_mem>>) src(%dma_wait3A_279 : memref<8x2048xf32, #tpu.memory_space<vmem>>) dst(%dma_wait3A_275 : memref<8x2048xf32, #tpu.memory_space<hbm>>)
      } else {
      }
      %add3A_140 = arith.constant 4 : i32
      %add3A_141 = arith.addi %add3A_129, %add3A_140 : i32
      %lt3A_142 = arith.constant 128 : i32
      %lt3A_143 = arith.cmpi slt, %add3A_141, %lt3A_142 : i32
      %convert_element_type3A_144 = arith.extui %lt3A_143 : i1 to i32
      %cond3A_145 = arith.constant 0 : i32
      %cond3A_146 = arith.cmpi ne, %convert_element_type3A_144, %cond3A_145 : i32
      scf.if %cond3A_146 {
        %add3A_267 = arith.constant 4 : i32
        %add3A_268 = arith.addi %add3A_129, %add3A_267 : i32
        %mul3A_269 = arith.constant 8 : i32
        %mul3A_270 = arith.muli %add3A_268, %mul3A_269 : i32
        %dma_start3A_271 = arith.constant 4 : i32
        %dma_start3A_272 = arith.constant 0 : i32
        %dma_start3A_273 = arith.constant 0 : i32
        %dma_start3A_274 = tpu.memref_slice %arg6[%dma_start3A_271, %dma_start3A_272, %dma_start3A_273] : memref<6x8x2048xf32, #tpu.memory_space<vmem>> -> memref<1x8x2048xf32, #tpu.memory_space<vmem>>
        %dma_start3A_275 = tpu.memref_squeeze %dma_start3A_274 : memref<1x8x2048xf32, #tpu.memory_space<vmem>> -> memref<8x2048xf32, #tpu.memory_space<vmem>>
        %dma_start3A_276 = tpu.memref_slice %arg5[%mul3A_270] : memref<1024xi32, #tpu.memory_space<vmem>> -> memref<8xi32, #tpu.memory_space<vmem>>
        %dma_start3A_277 = arith.constant 0 : i32
        %dma_start3A_278 = arith.constant 0 : i32
        %dma_start3A_279 = tpu.memref_slice %arg3[%dma_start3A_277, %dma_start3A_278] : memref<151936x2048xf32, #tpu.memory_space<hbm>> -> memref<151936x2048xf32, #tpu.memory_space<hbm>>
        tpu.enqueue_indirect_dma source(%dma_start3A_279 : memref<151936x2048xf32, #tpu.memory_space<hbm>>) target(%dma_start3A_275 : memref<8x2048xf32, #tpu.memory_space<vmem>>) offsets(%dma_start3A_276 : memref<8xi32, #tpu.memory_space<vmem>>) semaphore(%arg7 : memref<!tpu.dma_semaphore, #tpu.memory_space<semaphore_mem>>)
      } else {
      }
      %add3A_147 = arith.constant 1 : i32
      %add3A_148 = arith.addi %add3A_127, %add3A_147 : i32
      %lt3A_149 = arith.constant 128 : i32
      %lt3A_150 = arith.cmpi slt, %add3A_148, %lt3A_149 : i32
      %convert_element_type3A_151 = arith.extui %lt3A_150 : i1 to i32
      %cond3A_152 = arith.constant 0 : i32
      %cond3A_153 = arith.cmpi ne, %convert_element_type3A_151, %cond3A_152 : i32
      scf.if %cond3A_153 {
        %dma_wait3A_267 = arith.constant 1 : i32
        %dma_wait3A_268 = arith.constant 0 : i32
        %dma_wait3A_269 = arith.constant 0 : i32
        %dma_wait3A_270 = tpu.memref_slice %arg6[%dma_wait3A_267, %dma_wait3A_268, %dma_wait3A_269] : memref<6x8x2048xf32, #tpu.memory_space<vmem>> -> memref<1x8x2048xf32, #tpu.memory_space<vmem>>
        %dma_wait3A_271 = tpu.memref_squeeze %dma_wait3A_270 : memref<1x8x2048xf32, #tpu.memory_space<vmem>> -> memref<8x2048xf32, #tpu.memory_space<vmem>>
        %dma_wait3A_272 = arith.constant 0 : i32
        %dma_wait3A_273 = tpu.memref_slice %arg5[%dma_wait3A_272] : memref<1024xi32, #tpu.memory_space<vmem>> -> memref<8xi32, #tpu.memory_space<vmem>>
        %dma_wait3A_274 = arith.constant 0 : i32
        %dma_wait3A_275 = arith.constant 0 : i32
        %dma_wait3A_276 = tpu.memref_slice %arg3[%dma_wait3A_274, %dma_wait3A_275] : memref<151936x2048xf32, #tpu.memory_space<hbm>> -> memref<151936x2048xf32, #tpu.memory_space<hbm>>
        tpu.wait_indirect_dma semaphore(%arg7 : memref<!tpu.dma_semaphore, #tpu.memory_space<semaphore_mem>>) src(%dma_wait3A_276 : memref<151936x2048xf32, #tpu.memory_space<hbm>>) dst(%dma_wait3A_271 : memref<8x2048xf32, #tpu.memory_space<vmem>>)
        %mul3A_277 = arith.constant 8 : i32
        %mul3A_278 = arith.muli %add3A_148, %mul3A_277 : i32
        %add3A_279 = arith.addi %mul3A_2, %mul3A_278 : i32
        %dma_start3A_280 = arith.constant 1 : i32
        %dma_start3A_281 = arith.constant 0 : i32
        %dma_start3A_282 = arith.constant 0 : i32
        %dma_start3A_283 = tpu.memref_slice %arg6[%dma_start3A_280, %dma_start3A_281, %dma_start3A_282] : memref<6x8x2048xf32, #tpu.memory_space<vmem>> -> memref<1x8x2048xf32, #tpu.memory_space<vmem>>
        %dma_start3A_284 = tpu.memref_squeeze %dma_start3A_283 : memref<1x8x2048xf32, #tpu.memory_space<vmem>> -> memref<8x2048xf32, #tpu.memory_space<vmem>>
        %dma_start3A_285 = arith.constant 0 : i32
        %dma_start3A_286 = tpu.memref_slice %arg4[%add3A_279, %dma_start3A_285] : memref<32768x2048xf32, #tpu.memory_space<hbm>> -> memref<8x2048xf32, #tpu.memory_space<hbm>>
        %dma_start3A_287 = arith.constant 0 : i32
        %dma_start3A_288 = tpu.memref_slice %arg4[%add3A_279, %dma_start3A_287] : memref<32768x2048xf32, #tpu.memory_space<hbm>> -> memref<8x2048xf32, #tpu.memory_space<hbm>>
        %dma_start3A_289 = arith.constant 0 : i32
        %dma_start3A_290 = arith.constant 0 : i32
        %dma_start3A_291 = tpu.memref_slice %arg6[%dma_start3A_280, %dma_start3A_289, %dma_start3A_290] : memref<6x8x2048xf32, #tpu.memory_space<vmem>> -> memref<1x8x2048xf32, #tpu.memory_space<vmem>>
        %dma_start3A_292 = tpu.memref_squeeze %dma_start3A_291 : memref<1x8x2048xf32, #tpu.memory_space<vmem>> -> memref<8x2048xf32, #tpu.memory_space<vmem>>
        tpu.enqueue_dma source(%dma_start3A_292 : memref<8x2048xf32, #tpu.memory_space<vmem>>) target(%dma_start3A_288 : memref<8x2048xf32, #tpu.memory_space<hbm>>) target_semaphore(%arg8 : memref<!tpu.dma_semaphore, #tpu.memory_space<semaphore_mem>>)
      } else {
      }
      %add3A_154 = arith.constant 4 : i32
      %add3A_155 = arith.addi %add3A_148, %add3A_154 : i32
      %lt3A_156 = arith.constant 128 : i32
      %lt3A_157 = arith.cmpi slt, %add3A_155, %lt3A_156 : i32
      %ge3A_158 = arith.constant 2 : i32
      %ge3A_159 = arith.cmpi sge, %add3A_148, %ge3A_158 : i32
      %and3A_160 = arith.andi %lt3A_157, %ge3A_159 : i1
      %convert_element_type3A_161 = arith.extui %and3A_160 : i1 to i32
      %cond3A_162 = arith.constant 0 : i32
      %cond3A_163 = arith.cmpi ne, %convert_element_type3A_161, %cond3A_162 : i32
      scf.if %cond3A_163 {
        %dma_wait3A_267 = arith.constant 5 : i32
        %dma_wait3A_268 = arith.constant 0 : i32
        %dma_wait3A_269 = arith.constant 0 : i32
        %dma_wait3A_270 = tpu.memref_slice %arg6[%dma_wait3A_267, %dma_wait3A_268, %dma_wait3A_269] : memref<6x8x2048xf32, #tpu.memory_space<vmem>> -> memref<1x8x2048xf32, #tpu.memory_space<vmem>>
        %dma_wait3A_271 = tpu.memref_squeeze %dma_wait3A_270 : memref<1x8x2048xf32, #tpu.memory_space<vmem>> -> memref<8x2048xf32, #tpu.memory_space<vmem>>
        %dma_wait3A_272 = arith.constant 0 : i32
        %dma_wait3A_273 = tpu.memref_slice %arg4[%mul3A_2, %dma_wait3A_272] : memref<32768x2048xf32, #tpu.memory_space<hbm>> -> memref<8x2048xf32, #tpu.memory_space<hbm>>
        %dma_wait3A_274 = arith.constant 0 : i32
        %dma_wait3A_275 = tpu.memref_slice %arg4[%mul3A_2, %dma_wait3A_274] : memref<32768x2048xf32, #tpu.memory_space<hbm>> -> memref<8x2048xf32, #tpu.memory_space<hbm>>
        %dma_wait3A_276 = arith.constant 0 : i32
        %dma_wait3A_277 = arith.constant 0 : i32
        %dma_wait3A_278 = tpu.memref_slice %arg6[%dma_wait3A_267, %dma_wait3A_276, %dma_wait3A_277] : memref<6x8x2048xf32, #tpu.memory_space<vmem>> -> memref<1x8x2048xf32, #tpu.memory_space<vmem>>
        %dma_wait3A_279 = tpu.memref_squeeze %dma_wait3A_278 : memref<1x8x2048xf32, #tpu.memory_space<vmem>> -> memref<8x2048xf32, #tpu.memory_space<vmem>>
        tpu.wait_dma2 semaphore(%arg8 : memref<!tpu.dma_semaphore, #tpu.memory_space<semaphore_mem>>) src(%dma_wait3A_279 : memref<8x2048xf32, #tpu.memory_space<vmem>>) dst(%dma_wait3A_275 : memref<8x2048xf32, #tpu.memory_space<hbm>>)
      } else {
      }
      %add3A_164 = arith.constant 4 : i32
      %add3A_165 = arith.addi %add3A_148, %add3A_164 : i32
      %lt3A_166 = arith.constant 128 : i32
      %lt3A_167 = arith.cmpi slt, %add3A_165, %lt3A_166 : i32
      %convert_element_type3A_168 = arith.extui %lt3A_167 : i1 to i32
      %cond3A_169 = arith.constant 0 : i32
      %cond3A_170 = arith.cmpi ne, %convert_element_type3A_168, %cond3A_169 : i32
      scf.if %cond3A_170 {
        %add3A_267 = arith.constant 4 : i32
        %add3A_268 = arith.addi %add3A_148, %add3A_267 : i32
        %mul3A_269 = arith.constant 8 : i32
        %mul3A_270 = arith.muli %add3A_268, %mul3A_269 : i32
        %dma_start3A_271 = arith.constant 5 : i32
        %dma_start3A_272 = arith.constant 0 : i32
        %dma_start3A_273 = arith.constant 0 : i32
        %dma_start3A_274 = tpu.memref_slice %arg6[%dma_start3A_271, %dma_start3A_272, %dma_start3A_273] : memref<6x8x2048xf32, #tpu.memory_space<vmem>> -> memref<1x8x2048xf32, #tpu.memory_space<vmem>>
        %dma_start3A_275 = tpu.memref_squeeze %dma_start3A_274 : memref<1x8x2048xf32, #tpu.memory_space<vmem>> -> memref<8x2048xf32, #tpu.memory_space<vmem>>
        %dma_start3A_276 = tpu.memref_slice %arg5[%mul3A_270] : memref<1024xi32, #tpu.memory_space<vmem>> -> memref<8xi32, #tpu.memory_space<vmem>>
        %dma_start3A_277 = arith.constant 0 : i32
        %dma_start3A_278 = arith.constant 0 : i32
        %dma_start3A_279 = tpu.memref_slice %arg3[%dma_start3A_277, %dma_start3A_278] : memref<151936x2048xf32, #tpu.memory_space<hbm>> -> memref<151936x2048xf32, #tpu.memory_space<hbm>>
        tpu.enqueue_indirect_dma source(%dma_start3A_279 : memref<151936x2048xf32, #tpu.memory_space<hbm>>) target(%dma_start3A_275 : memref<8x2048xf32, #tpu.memory_space<vmem>>) offsets(%dma_start3A_276 : memref<8xi32, #tpu.memory_space<vmem>>) semaphore(%arg7 : memref<!tpu.dma_semaphore, #tpu.memory_space<semaphore_mem>>)
      } else {
      }
      %add3A_171 = arith.constant 2 : i32
      %add3A_172 = arith.addi %add3A_127, %add3A_171 : i32
      %lt3A_173 = arith.constant 128 : i32
      %lt3A_174 = arith.cmpi slt, %add3A_172, %lt3A_173 : i32
      %convert_element_type3A_175 = arith.extui %lt3A_174 : i1 to i32
      %cond3A_176 = arith.constant 0 : i32
      %cond3A_177 = arith.cmpi ne, %convert_element_type3A_175, %cond3A_176 : i32
      scf.if %cond3A_177 {
        %dma_wait3A_267 = arith.constant 2 : i32
        %dma_wait3A_268 = arith.constant 0 : i32
        %dma_wait3A_269 = arith.constant 0 : i32
        %dma_wait3A_270 = tpu.memref_slice %arg6[%dma_wait3A_267, %dma_wait3A_268, %dma_wait3A_269] : memref<6x8x2048xf32, #tpu.memory_space<vmem>> -> memref<1x8x2048xf32, #tpu.memory_space<vmem>>
        %dma_wait3A_271 = tpu.memref_squeeze %dma_wait3A_270 : memref<1x8x2048xf32, #tpu.memory_space<vmem>> -> memref<8x2048xf32, #tpu.memory_space<vmem>>
        %dma_wait3A_272 = arith.constant 0 : i32
        %dma_wait3A_273 = tpu.memref_slice %arg5[%dma_wait3A_272] : memref<1024xi32, #tpu.memory_space<vmem>> -> memref<8xi32, #tpu.memory_space<vmem>>
        %dma_wait3A_274 = arith.constant 0 : i32
        %dma_wait3A_275 = arith.constant 0 : i32
        %dma_wait3A_276 = tpu.memref_slice %arg3[%dma_wait3A_274, %dma_wait3A_275] : memref<151936x2048xf32, #tpu.memory_space<hbm>> -> memref<151936x2048xf32, #tpu.memory_space<hbm>>
        tpu.wait_indirect_dma semaphore(%arg7 : memref<!tpu.dma_semaphore, #tpu.memory_space<semaphore_mem>>) src(%dma_wait3A_276 : memref<151936x2048xf32, #tpu.memory_space<hbm>>) dst(%dma_wait3A_271 : memref<8x2048xf32, #tpu.memory_space<vmem>>)
        %mul3A_277 = arith.constant 8 : i32
        %mul3A_278 = arith.muli %add3A_172, %mul3A_277 : i32
        %add3A_279 = arith.addi %mul3A_2, %mul3A_278 : i32
        %dma_start3A_280 = arith.constant 2 : i32
        %dma_start3A_281 = arith.constant 0 : i32
        %dma_start3A_282 = arith.constant 0 : i32
        %dma_start3A_283 = tpu.memref_slice %arg6[%dma_start3A_280, %dma_start3A_281, %dma_start3A_282] : memref<6x8x2048xf32, #tpu.memory_space<vmem>> -> memref<1x8x2048xf32, #tpu.memory_space<vmem>>
        %dma_start3A_284 = tpu.memref_squeeze %dma_start3A_283 : memref<1x8x2048xf32, #tpu.memory_space<vmem>> -> memref<8x2048xf32, #tpu.memory_space<vmem>>
        %dma_start3A_285 = arith.constant 0 : i32
        %dma_start3A_286 = tpu.memref_slice %arg4[%add3A_279, %dma_start3A_285] : memref<32768x2048xf32, #tpu.memory_space<hbm>> -> memref<8x2048xf32, #tpu.memory_space<hbm>>
        %dma_start3A_287 = arith.constant 0 : i32
        %dma_start3A_288 = tpu.memref_slice %arg4[%add3A_279, %dma_start3A_287] : memref<32768x2048xf32, #tpu.memory_space<hbm>> -> memref<8x2048xf32, #tpu.memory_space<hbm>>
        %dma_start3A_289 = arith.constant 0 : i32
        %dma_start3A_290 = arith.constant 0 : i32
        %dma_start3A_291 = tpu.memref_slice %arg6[%dma_start3A_280, %dma_start3A_289, %dma_start3A_290] : memref<6x8x2048xf32, #tpu.memory_space<vmem>> -> memref<1x8x2048xf32, #tpu.memory_space<vmem>>
        %dma_start3A_292 = tpu.memref_squeeze %dma_start3A_291 : memref<1x8x2048xf32, #tpu.memory_space<vmem>> -> memref<8x2048xf32, #tpu.memory_space<vmem>>
        tpu.enqueue_dma source(%dma_start3A_292 : memref<8x2048xf32, #tpu.memory_space<vmem>>) target(%dma_start3A_288 : memref<8x2048xf32, #tpu.memory_space<hbm>>) target_semaphore(%arg8 : memref<!tpu.dma_semaphore, #tpu.memory_space<semaphore_mem>>)
      } else {
      }
      %add3A_178 = arith.constant 4 : i32
      %add3A_179 = arith.addi %add3A_172, %add3A_178 : i32
      %lt3A_180 = arith.constant 128 : i32
      %lt3A_181 = arith.cmpi slt, %add3A_179, %lt3A_180 : i32
      %ge3A_182 = arith.constant 2 : i32
      %ge3A_183 = arith.cmpi sge, %add3A_172, %ge3A_182 : i32
      %and3A_184 = arith.andi %lt3A_181, %ge3A_183 : i1
      %convert_element_type3A_185 = arith.extui %and3A_184 : i1 to i32
      %cond3A_186 = arith.constant 0 : i32
      %cond3A_187 = arith.cmpi ne, %convert_element_type3A_185, %cond3A_186 : i32
      scf.if %cond3A_187 {
        %dma_wait3A_267 = arith.constant 0 : i32
        %dma_wait3A_268 = arith.constant 0 : i32
        %dma_wait3A_269 = arith.constant 0 : i32
        %dma_wait3A_270 = tpu.memref_slice %arg6[%dma_wait3A_267, %dma_wait3A_268, %dma_wait3A_269] : memref<6x8x2048xf32, #tpu.memory_space<vmem>> -> memref<1x8x2048xf32, #tpu.memory_space<vmem>>
        %dma_wait3A_271 = tpu.memref_squeeze %dma_wait3A_270 : memref<1x8x2048xf32, #tpu.memory_space<vmem>> -> memref<8x2048xf32, #tpu.memory_space<vmem>>
        %dma_wait3A_272 = arith.constant 0 : i32
        %dma_wait3A_273 = tpu.memref_slice %arg4[%mul3A_2, %dma_wait3A_272] : memref<32768x2048xf32, #tpu.memory_space<hbm>> -> memref<8x2048xf32, #tpu.memory_space<hbm>>
        %dma_wait3A_274 = arith.constant 0 : i32
        %dma_wait3A_275 = tpu.memref_slice %arg4[%mul3A_2, %dma_wait3A_274] : memref<32768x2048xf32, #tpu.memory_space<hbm>> -> memref<8x2048xf32, #tpu.memory_space<hbm>>
        %dma_wait3A_276 = arith.constant 0 : i32
        %dma_wait3A_277 = arith.constant 0 : i32
        %dma_wait3A_278 = tpu.memref_slice %arg6[%dma_wait3A_267, %dma_wait3A_276, %dma_wait3A_277] : memref<6x8x2048xf32, #tpu.memory_space<vmem>> -> memref<1x8x2048xf32, #tpu.memory_space<vmem>>
        %dma_wait3A_279 = tpu.memref_squeeze %dma_wait3A_278 : memref<1x8x2048xf32, #tpu.memory_space<vmem>> -> memref<8x2048xf32, #tpu.memory_space<vmem>>
        tpu.wait_dma2 semaphore(%arg8 : memref<!tpu.dma_semaphore, #tpu.memory_space<semaphore_mem>>) src(%dma_wait3A_279 : memref<8x2048xf32, #tpu.memory_space<vmem>>) dst(%dma_wait3A_275 : memref<8x2048xf32, #tpu.memory_space<hbm>>)
      } else {
      }
      %add3A_188 = arith.constant 4 : i32
      %add3A_189 = arith.addi %add3A_172, %add3A_188 : i32
      %lt3A_190 = arith.constant 128 : i32
      %lt3A_191 = arith.cmpi slt, %add3A_189, %lt3A_190 : i32
      %convert_element_type3A_192 = arith.extui %lt3A_191 : i1 to i32
      %cond3A_193 = arith.constant 0 : i32
      %cond3A_194 = arith.cmpi ne, %convert_element_type3A_192, %cond3A_193 : i32
      scf.if %cond3A_194 {
        %add3A_267 = arith.constant 4 : i32
        %add3A_268 = arith.addi %add3A_172, %add3A_267 : i32
        %mul3A_269 = arith.constant 8 : i32
        %mul3A_270 = arith.muli %add3A_268, %mul3A_269 : i32
        %dma_start3A_271 = arith.constant 0 : i32
        %dma_start3A_272 = arith.constant 0 : i32
        %dma_start3A_273 = arith.constant 0 : i32
        %dma_start3A_274 = tpu.memref_slice %arg6[%dma_start3A_271, %dma_start3A_272, %dma_start3A_273] : memref<6x8x2048xf32, #tpu.memory_space<vmem>> -> memref<1x8x2048xf32, #tpu.memory_space<vmem>>
        %dma_start3A_275 = tpu.memref_squeeze %dma_start3A_274 : memref<1x8x2048xf32, #tpu.memory_space<vmem>> -> memref<8x2048xf32, #tpu.memory_space<vmem>>
        %dma_start3A_276 = tpu.memref_slice %arg5[%mul3A_270] : memref<1024xi32, #tpu.memory_space<vmem>> -> memref<8xi32, #tpu.memory_space<vmem>>
        %dma_start3A_277 = arith.constant 0 : i32
        %dma_start3A_278 = arith.constant 0 : i32
        %dma_start3A_279 = tpu.memref_slice %arg3[%dma_start3A_277, %dma_start3A_278] : memref<151936x2048xf32, #tpu.memory_space<hbm>> -> memref<151936x2048xf32, #tpu.memory_space<hbm>>
        tpu.enqueue_indirect_dma source(%dma_start3A_279 : memref<151936x2048xf32, #tpu.memory_space<hbm>>) target(%dma_start3A_275 : memref<8x2048xf32, #tpu.memory_space<vmem>>) offsets(%dma_start3A_276 : memref<8xi32, #tpu.memory_space<vmem>>) semaphore(%arg7 : memref<!tpu.dma_semaphore, #tpu.memory_space<semaphore_mem>>)
      } else {
      }
      %add3A_195 = arith.constant 3 : i32
      %add3A_196 = arith.addi %add3A_127, %add3A_195 : i32
      %lt3A_197 = arith.constant 128 : i32
      %lt3A_198 = arith.cmpi slt, %add3A_196, %lt3A_197 : i32
      %convert_element_type3A_199 = arith.extui %lt3A_198 : i1 to i32
      %cond3A_200 = arith.constant 0 : i32
      %cond3A_201 = arith.cmpi ne, %convert_element_type3A_199, %cond3A_200 : i32
      scf.if %cond3A_201 {
        %dma_wait3A_267 = arith.constant 3 : i32
        %dma_wait3A_268 = arith.constant 0 : i32
        %dma_wait3A_269 = arith.constant 0 : i32
        %dma_wait3A_270 = tpu.memref_slice %arg6[%dma_wait3A_267, %dma_wait3A_268, %dma_wait3A_269] : memref<6x8x2048xf32, #tpu.memory_space<vmem>> -> memref<1x8x2048xf32, #tpu.memory_space<vmem>>
        %dma_wait3A_271 = tpu.memref_squeeze %dma_wait3A_270 : memref<1x8x2048xf32, #tpu.memory_space<vmem>> -> memref<8x2048xf32, #tpu.memory_space<vmem>>
        %dma_wait3A_272 = arith.constant 0 : i32
        %dma_wait3A_273 = tpu.memref_slice %arg5[%dma_wait3A_272] : memref<1024xi32, #tpu.memory_space<vmem>> -> memref<8xi32, #tpu.memory_space<vmem>>
        %dma_wait3A_274 = arith.constant 0 : i32
        %dma_wait3A_275 = arith.constant 0 : i32
        %dma_wait3A_276 = tpu.memref_slice %arg3[%dma_wait3A_274, %dma_wait3A_275] : memref<151936x2048xf32, #tpu.memory_space<hbm>> -> memref<151936x2048xf32, #tpu.memory_space<hbm>>
        tpu.wait_indirect_dma semaphore(%arg7 : memref<!tpu.dma_semaphore, #tpu.memory_space<semaphore_mem>>) src(%dma_wait3A_276 : memref<151936x2048xf32, #tpu.memory_space<hbm>>) dst(%dma_wait3A_271 : memref<8x2048xf32, #tpu.memory_space<vmem>>)
        %mul3A_277 = arith.constant 8 : i32
        %mul3A_278 = arith.muli %add3A_196, %mul3A_277 : i32
        %add3A_279 = arith.addi %mul3A_2, %mul3A_278 : i32
        %dma_start3A_280 = arith.constant 3 : i32
        %dma_start3A_281 = arith.constant 0 : i32
        %dma_start3A_282 = arith.constant 0 : i32
        %dma_start3A_283 = tpu.memref_slice %arg6[%dma_start3A_280, %dma_start3A_281, %dma_start3A_282] : memref<6x8x2048xf32, #tpu.memory_space<vmem>> -> memref<1x8x2048xf32, #tpu.memory_space<vmem>>
        %dma_start3A_284 = tpu.memref_squeeze %dma_start3A_283 : memref<1x8x2048xf32, #tpu.memory_space<vmem>> -> memref<8x2048xf32, #tpu.memory_space<vmem>>
        %dma_start3A_285 = arith.constant 0 : i32
        %dma_start3A_286 = tpu.memref_slice %arg4[%add3A_279, %dma_start3A_285] : memref<32768x2048xf32, #tpu.memory_space<hbm>> -> memref<8x2048xf32, #tpu.memory_space<hbm>>
        %dma_start3A_287 = arith.constant 0 : i32
        %dma_start3A_288 = tpu.memref_slice %arg4[%add3A_279, %dma_start3A_287] : memref<32768x2048xf32, #tpu.memory_space<hbm>> -> memref<8x2048xf32, #tpu.memory_space<hbm>>
        %dma_start3A_289 = arith.constant 0 : i32
        %dma_start3A_290 = arith.constant 0 : i32
        %dma_start3A_291 = tpu.memref_slice %arg6[%dma_start3A_280, %dma_start3A_289, %dma_start3A_290] : memref<6x8x2048xf32, #tpu.memory_space<vmem>> -> memref<1x8x2048xf32, #tpu.memory_space<vmem>>
        %dma_start3A_292 = tpu.memref_squeeze %dma_start3A_291 : memref<1x8x2048xf32, #tpu.memory_space<vmem>> -> memref<8x2048xf32, #tpu.memory_space<vmem>>
        tpu.enqueue_dma source(%dma_start3A_292 : memref<8x2048xf32, #tpu.memory_space<vmem>>) target(%dma_start3A_288 : memref<8x2048xf32, #tpu.memory_space<hbm>>) target_semaphore(%arg8 : memref<!tpu.dma_semaphore, #tpu.memory_space<semaphore_mem>>)
      } else {
      }
      %add3A_202 = arith.constant 4 : i32
      %add3A_203 = arith.addi %add3A_196, %add3A_202 : i32
      %lt3A_204 = arith.constant 128 : i32
      %lt3A_205 = arith.cmpi slt, %add3A_203, %lt3A_204 : i32
      %ge3A_206 = arith.constant 2 : i32
      %ge3A_207 = arith.cmpi sge, %add3A_196, %ge3A_206 : i32
      %and3A_208 = arith.andi %lt3A_205, %ge3A_207 : i1
      %convert_element_type3A_209 = arith.extui %and3A_208 : i1 to i32
      %cond3A_210 = arith.constant 0 : i32
      %cond3A_211 = arith.cmpi ne, %convert_element_type3A_209, %cond3A_210 : i32
      scf.if %cond3A_211 {
        %dma_wait3A_267 = arith.constant 1 : i32
        %dma_wait3A_268 = arith.constant 0 : i32
        %dma_wait3A_269 = arith.constant 0 : i32
        %dma_wait3A_270 = tpu.memref_slice %arg6[%dma_wait3A_267, %dma_wait3A_268, %dma_wait3A_269] : memref<6x8x2048xf32, #tpu.memory_space<vmem>> -> memref<1x8x2048xf32, #tpu.memory_space<vmem>>
        %dma_wait3A_271 = tpu.memref_squeeze %dma_wait3A_270 : memref<1x8x2048xf32, #tpu.memory_space<vmem>> -> memref<8x2048xf32, #tpu.memory_space<vmem>>
        %dma_wait3A_272 = arith.constant 0 : i32
        %dma_wait3A_273 = tpu.memref_slice %arg4[%mul3A_2, %dma_wait3A_272] : memref<32768x2048xf32, #tpu.memory_space<hbm>> -> memref<8x2048xf32, #tpu.memory_space<hbm>>
        %dma_wait3A_274 = arith.constant 0 : i32
        %dma_wait3A_275 = tpu.memref_slice %arg4[%mul3A_2, %dma_wait3A_274] : memref<32768x2048xf32, #tpu.memory_space<hbm>> -> memref<8x2048xf32, #tpu.memory_space<hbm>>
        %dma_wait3A_276 = arith.constant 0 : i32
        %dma_wait3A_277 = arith.constant 0 : i32
        %dma_wait3A_278 = tpu.memref_slice %arg6[%dma_wait3A_267, %dma_wait3A_276, %dma_wait3A_277] : memref<6x8x2048xf32, #tpu.memory_space<vmem>> -> memref<1x8x2048xf32, #tpu.memory_space<vmem>>
        %dma_wait3A_279 = tpu.memref_squeeze %dma_wait3A_278 : memref<1x8x2048xf32, #tpu.memory_space<vmem>> -> memref<8x2048xf32, #tpu.memory_space<vmem>>
        tpu.wait_dma2 semaphore(%arg8 : memref<!tpu.dma_semaphore, #tpu.memory_space<semaphore_mem>>) src(%dma_wait3A_279 : memref<8x2048xf32, #tpu.memory_space<vmem>>) dst(%dma_wait3A_275 : memref<8x2048xf32, #tpu.memory_space<hbm>>)
      } else {
      }
      %add3A_212 = arith.constant 4 : i32
      %add3A_213 = arith.addi %add3A_196, %add3A_212 : i32
      %lt3A_214 = arith.constant 128 : i32
      %lt3A_215 = arith.cmpi slt, %add3A_213, %lt3A_214 : i32
      %convert_element_type3A_216 = arith.extui %lt3A_215 : i1 to i32
      %cond3A_217 = arith.constant 0 : i32
      %cond3A_218 = arith.cmpi ne, %convert_element_type3A_216, %cond3A_217 : i32
      scf.if %cond3A_218 {
        %add3A_267 = arith.constant 4 : i32
        %add3A_268 = arith.addi %add3A_196, %add3A_267 : i32
        %mul3A_269 = arith.constant 8 : i32
        %mul3A_270 = arith.muli %add3A_268, %mul3A_269 : i32
        %dma_start3A_271 = arith.constant 1 : i32
        %dma_start3A_272 = arith.constant 0 : i32
        %dma_start3A_273 = arith.constant 0 : i32
        %dma_start3A_274 = tpu.memref_slice %arg6[%dma_start3A_271, %dma_start3A_272, %dma_start3A_273] : memref<6x8x2048xf32, #tpu.memory_space<vmem>> -> memref<1x8x2048xf32, #tpu.memory_space<vmem>>
        %dma_start3A_275 = tpu.memref_squeeze %dma_start3A_274 : memref<1x8x2048xf32, #tpu.memory_space<vmem>> -> memref<8x2048xf32, #tpu.memory_space<vmem>>
        %dma_start3A_276 = tpu.memref_slice %arg5[%mul3A_270] : memref<1024xi32, #tpu.memory_space<vmem>> -> memref<8xi32, #tpu.memory_space<vmem>>
        %dma_start3A_277 = arith.constant 0 : i32
        %dma_start3A_278 = arith.constant 0 : i32
        %dma_start3A_279 = tpu.memref_slice %arg3[%dma_start3A_277, %dma_start3A_278] : memref<151936x2048xf32, #tpu.memory_space<hbm>> -> memref<151936x2048xf32, #tpu.memory_space<hbm>>
        tpu.enqueue_indirect_dma source(%dma_start3A_279 : memref<151936x2048xf32, #tpu.memory_space<hbm>>) target(%dma_start3A_275 : memref<8x2048xf32, #tpu.memory_space<vmem>>) offsets(%dma_start3A_276 : memref<8xi32, #tpu.memory_space<vmem>>) semaphore(%arg7 : memref<!tpu.dma_semaphore, #tpu.memory_space<semaphore_mem>>)
      } else {
      }
      %add3A_219 = arith.constant 4 : i32
      %add3A_220 = arith.addi %add3A_127, %add3A_219 : i32
      %lt3A_221 = arith.constant 128 : i32
      %lt3A_222 = arith.cmpi slt, %add3A_220, %lt3A_221 : i32
      %convert_element_type3A_223 = arith.extui %lt3A_222 : i1 to i32
      %cond3A_224 = arith.constant 0 : i32
      %cond3A_225 = arith.cmpi ne, %convert_element_type3A_223, %cond3A_224 : i32
      scf.if %cond3A_225 {
        %dma_wait3A_267 = arith.constant 4 : i32
        %dma_wait3A_268 = arith.constant 0 : i32
        %dma_wait3A_269 = arith.constant 0 : i32
        %dma_wait3A_270 = tpu.memref_slice %arg6[%dma_wait3A_267, %dma_wait3A_268, %dma_wait3A_269] : memref<6x8x2048xf32, #tpu.memory_space<vmem>> -> memref<1x8x2048xf32, #tpu.memory_space<vmem>>
        %dma_wait3A_271 = tpu.memref_squeeze %dma_wait3A_270 : memref<1x8x2048xf32, #tpu.memory_space<vmem>> -> memref<8x2048xf32, #tpu.memory_space<vmem>>
        %dma_wait3A_272 = arith.constant 0 : i32
        %dma_wait3A_273 = tpu.memref_slice %arg5[%dma_wait3A_272] : memref<1024xi32, #tpu.memory_space<vmem>> -> memref<8xi32, #tpu.memory_space<vmem>>
        %dma_wait3A_274 = arith.constant 0 : i32
        %dma_wait3A_275 = arith.constant 0 : i32
        %dma_wait3A_276 = tpu.memref_slice %arg3[%dma_wait3A_274, %dma_wait3A_275] : memref<151936x2048xf32, #tpu.memory_space<hbm>> -> memref<151936x2048xf32, #tpu.memory_space<hbm>>
        tpu.wait_indirect_dma semaphore(%arg7 : memref<!tpu.dma_semaphore, #tpu.memory_space<semaphore_mem>>) src(%dma_wait3A_276 : memref<151936x2048xf32, #tpu.memory_space<hbm>>) dst(%dma_wait3A_271 : memref<8x2048xf32, #tpu.memory_space<vmem>>)
        %mul3A_277 = arith.constant 8 : i32
        %mul3A_278 = arith.muli %add3A_220, %mul3A_277 : i32
        %add3A_279 = arith.addi %mul3A_2, %mul3A_278 : i32
        %dma_start3A_280 = arith.constant 4 : i32
        %dma_start3A_281 = arith.constant 0 : i32
        %dma_start3A_282 = arith.constant 0 : i32
        %dma_start3A_283 = tpu.memref_slice %arg6[%dma_start3A_280, %dma_start3A_281, %dma_start3A_282] : memref<6x8x2048xf32, #tpu.memory_space<vmem>> -> memref<1x8x2048xf32, #tpu.memory_space<vmem>>
        %dma_start3A_284 = tpu.memref_squeeze %dma_start3A_283 : memref<1x8x2048xf32, #tpu.memory_space<vmem>> -> memref<8x2048xf32, #tpu.memory_space<vmem>>
        %dma_start3A_285 = arith.constant 0 : i32
        %dma_start3A_286 = tpu.memref_slice %arg4[%add3A_279, %dma_start3A_285] : memref<32768x2048xf32, #tpu.memory_space<hbm>> -> memref<8x2048xf32, #tpu.memory_space<hbm>>
        %dma_start3A_287 = arith.constant 0 : i32
        %dma_start3A_288 = tpu.memref_slice %arg4[%add3A_279, %dma_start3A_287] : memref<32768x2048xf32, #tpu.memory_space<hbm>> -> memref<8x2048xf32, #tpu.memory_space<hbm>>
        %dma_start3A_289 = arith.constant 0 : i32
        %dma_start3A_290 = arith.constant 0 : i32
        %dma_start3A_291 = tpu.memref_slice %arg6[%dma_start3A_280, %dma_start3A_289, %dma_start3A_290] : memref<6x8x2048xf32, #tpu.memory_space<vmem>> -> memref<1x8x2048xf32, #tpu.memory_space<vmem>>
        %dma_start3A_292 = tpu.memref_squeeze %dma_start3A_291 : memref<1x8x2048xf32, #tpu.memory_space<vmem>> -> memref<8x2048xf32, #tpu.memory_space<vmem>>
        tpu.enqueue_dma source(%dma_start3A_292 : memref<8x2048xf32, #tpu.memory_space<vmem>>) target(%dma_start3A_288 : memref<8x2048xf32, #tpu.memory_space<hbm>>) target_semaphore(%arg8 : memref<!tpu.dma_semaphore, #tpu.memory_space<semaphore_mem>>)
      } else {
      }
      %add3A_226 = arith.constant 4 : i32
      %add3A_227 = arith.addi %add3A_220, %add3A_226 : i32
      %lt3A_228 = arith.constant 128 : i32
      %lt3A_229 = arith.cmpi slt, %add3A_227, %lt3A_228 : i32
      %ge3A_230 = arith.constant 2 : i32
      %ge3A_231 = arith.cmpi sge, %add3A_220, %ge3A_230 : i32
      %and3A_232 = arith.andi %lt3A_229, %ge3A_231 : i1
      %convert_element_type3A_233 = arith.extui %and3A_232 : i1 to i32
      %cond3A_234 = arith.constant 0 : i32
      %cond3A_235 = arith.cmpi ne, %convert_element_type3A_233, %cond3A_234 : i32
      scf.if %cond3A_235 {
        %dma_wait3A_267 = arith.constant 2 : i32
        %dma_wait3A_268 = arith.constant 0 : i32
        %dma_wait3A_269 = arith.constant 0 : i32
        %dma_wait3A_270 = tpu.memref_slice %arg6[%dma_wait3A_267, %dma_wait3A_268, %dma_wait3A_269] : memref<6x8x2048xf32, #tpu.memory_space<vmem>> -> memref<1x8x2048xf32, #tpu.memory_space<vmem>>
        %dma_wait3A_271 = tpu.memref_squeeze %dma_wait3A_270 : memref<1x8x2048xf32, #tpu.memory_space<vmem>> -> memref<8x2048xf32, #tpu.memory_space<vmem>>
        %dma_wait3A_272 = arith.constant 0 : i32
        %dma_wait3A_273 = tpu.memref_slice %arg4[%mul3A_2, %dma_wait3A_272] : memref<32768x2048xf32, #tpu.memory_space<hbm>> -> memref<8x2048xf32, #tpu.memory_space<hbm>>
        %dma_wait3A_274 = arith.constant 0 : i32
        %dma_wait3A_275 = tpu.memref_slice %arg4[%mul3A_2, %dma_wait3A_274] : memref<32768x2048xf32, #tpu.memory_space<hbm>> -> memref<8x2048xf32, #tpu.memory_space<hbm>>
        %dma_wait3A_276 = arith.constant 0 : i32
        %dma_wait3A_277 = arith.constant 0 : i32
        %dma_wait3A_278 = tpu.memref_slice %arg6[%dma_wait3A_267, %dma_wait3A_276, %dma_wait3A_277] : memref<6x8x2048xf32, #tpu.memory_space<vmem>> -> memref<1x8x2048xf32, #tpu.memory_space<vmem>>
        %dma_wait3A_279 = tpu.memref_squeeze %dma_wait3A_278 : memref<1x8x2048xf32, #tpu.memory_space<vmem>> -> memref<8x2048xf32, #tpu.memory_space<vmem>>
        tpu.wait_dma2 semaphore(%arg8 : memref<!tpu.dma_semaphore, #tpu.memory_space<semaphore_mem>>) src(%dma_wait3A_279 : memref<8x2048xf32, #tpu.memory_space<vmem>>) dst(%dma_wait3A_275 : memref<8x2048xf32, #tpu.memory_space<hbm>>)
      } else {
      }
      %add3A_236 = arith.constant 4 : i32
      %add3A_237 = arith.addi %add3A_220, %add3A_236 : i32
      %lt3A_238 = arith.constant 128 : i32
      %lt3A_239 = arith.cmpi slt, %add3A_237, %lt3A_238 : i32
      %convert_element_type3A_240 = arith.extui %lt3A_239 : i1 to i32
      %cond3A_241 = arith.constant 0 : i32
      %cond3A_242 = arith.cmpi ne, %convert_element_type3A_240, %cond3A_241 : i32
      scf.if %cond3A_242 {
        %add3A_267 = arith.constant 4 : i32
        %add3A_268 = arith.addi %add3A_220, %add3A_267 : i32
        %mul3A_269 = arith.constant 8 : i32
        %mul3A_270 = arith.muli %add3A_268, %mul3A_269 : i32
        %dma_start3A_271 = arith.constant 2 : i32
        %dma_start3A_272 = arith.constant 0 : i32
        %dma_start3A_273 = arith.constant 0 : i32
        %dma_start3A_274 = tpu.memref_slice %arg6[%dma_start3A_271, %dma_start3A_272, %dma_start3A_273] : memref<6x8x2048xf32, #tpu.memory_space<vmem>> -> memref<1x8x2048xf32, #tpu.memory_space<vmem>>
        %dma_start3A_275 = tpu.memref_squeeze %dma_start3A_274 : memref<1x8x2048xf32, #tpu.memory_space<vmem>> -> memref<8x2048xf32, #tpu.memory_space<vmem>>
        %dma_start3A_276 = tpu.memref_slice %arg5[%mul3A_270] : memref<1024xi32, #tpu.memory_space<vmem>> -> memref<8xi32, #tpu.memory_space<vmem>>
        %dma_start3A_277 = arith.constant 0 : i32
        %dma_start3A_278 = arith.constant 0 : i32
        %dma_start3A_279 = tpu.memref_slice %arg3[%dma_start3A_277, %dma_start3A_278] : memref<151936x2048xf32, #tpu.memory_space<hbm>> -> memref<151936x2048xf32, #tpu.memory_space<hbm>>
        tpu.enqueue_indirect_dma source(%dma_start3A_279 : memref<151936x2048xf32, #tpu.memory_space<hbm>>) target(%dma_start3A_275 : memref<8x2048xf32, #tpu.memory_space<vmem>>) offsets(%dma_start3A_276 : memref<8xi32, #tpu.memory_space<vmem>>) semaphore(%arg7 : memref<!tpu.dma_semaphore, #tpu.memory_space<semaphore_mem>>)
      } else {
      }
      %add3A_243 = arith.constant 5 : i32
      %add3A_244 = arith.addi %add3A_127, %add3A_243 : i32
      %lt3A_245 = arith.constant 128 : i32
      %lt3A_246 = arith.cmpi slt, %add3A_244, %lt3A_245 : i32
      %convert_element_type3A_247 = arith.extui %lt3A_246 : i1 to i32
      %cond3A_248 = arith.constant 0 : i32
      %cond3A_249 = arith.cmpi ne, %convert_element_type3A_247, %cond3A_248 : i32
      scf.if %cond3A_249 {
        %dma_wait3A_267 = arith.constant 5 : i32
        %dma_wait3A_268 = arith.constant 0 : i32
        %dma_wait3A_269 = arith.constant 0 : i32
        %dma_wait3A_270 = tpu.memref_slice %arg6[%dma_wait3A_267, %dma_wait3A_268, %dma_wait3A_269] : memref<6x8x2048xf32, #tpu.memory_space<vmem>> -> memref<1x8x2048xf32, #tpu.memory_space<vmem>>
        %dma_wait3A_271 = tpu.memref_squeeze %dma_wait3A_270 : memref<1x8x2048xf32, #tpu.memory_space<vmem>> -> memref<8x2048xf32, #tpu.memory_space<vmem>>
        %dma_wait3A_272 = arith.constant 0 : i32
        %dma_wait3A_273 = tpu.memref_slice %arg5[%dma_wait3A_272] : memref<1024xi32, #tpu.memory_space<vmem>> -> memref<8xi32, #tpu.memory_space<vmem>>
        %dma_wait3A_274 = arith.constant 0 : i32
        %dma_wait3A_275 = arith.constant 0 : i32
        %dma_wait3A_276 = tpu.memref_slice %arg3[%dma_wait3A_274, %dma_wait3A_275] : memref<151936x2048xf32, #tpu.memory_space<hbm>> -> memref<151936x2048xf32, #tpu.memory_space<hbm>>
        tpu.wait_indirect_dma semaphore(%arg7 : memref<!tpu.dma_semaphore, #tpu.memory_space<semaphore_mem>>) src(%dma_wait3A_276 : memref<151936x2048xf32, #tpu.memory_space<hbm>>) dst(%dma_wait3A_271 : memref<8x2048xf32, #tpu.memory_space<vmem>>)
        %mul3A_277 = arith.constant 8 : i32
        %mul3A_278 = arith.muli %add3A_244, %mul3A_277 : i32
        %add3A_279 = arith.addi %mul3A_2, %mul3A_278 : i32
        %dma_start3A_280 = arith.constant 5 : i32
        %dma_start3A_281 = arith.constant 0 : i32
        %dma_start3A_282 = arith.constant 0 : i32
        %dma_start3A_283 = tpu.memref_slice %arg6[%dma_start3A_280, %dma_start3A_281, %dma_start3A_282] : memref<6x8x2048xf32, #tpu.memory_space<vmem>> -> memref<1x8x2048xf32, #tpu.memory_space<vmem>>
        %dma_start3A_284 = tpu.memref_squeeze %dma_start3A_283 : memref<1x8x2048xf32, #tpu.memory_space<vmem>> -> memref<8x2048xf32, #tpu.memory_space<vmem>>
        %dma_start3A_285 = arith.constant 0 : i32
        %dma_start3A_286 = tpu.memref_slice %arg4[%add3A_279, %dma_start3A_285] : memref<32768x2048xf32, #tpu.memory_space<hbm>> -> memref<8x2048xf32, #tpu.memory_space<hbm>>
        %dma_start3A_287 = arith.constant 0 : i32
        %dma_start3A_288 = tpu.memref_slice %arg4[%add3A_279, %dma_start3A_287] : memref<32768x2048xf32, #tpu.memory_space<hbm>> -> memref<8x2048xf32, #tpu.memory_space<hbm>>
        %dma_start3A_289 = arith.constant 0 : i32
        %dma_start3A_290 = arith.constant 0 : i32
        %dma_start3A_291 = tpu.memref_slice %arg6[%dma_start3A_280, %dma_start3A_289, %dma_start3A_290] : memref<6x8x2048xf32, #tpu.memory_space<vmem>> -> memref<1x8x2048xf32, #tpu.memory_space<vmem>>
        %dma_start3A_292 = tpu.memref_squeeze %dma_start3A_291 : memref<1x8x2048xf32, #tpu.memory_space<vmem>> -> memref<8x2048xf32, #tpu.memory_space<vmem>>
        tpu.enqueue_dma source(%dma_start3A_292 : memref<8x2048xf32, #tpu.memory_space<vmem>>) target(%dma_start3A_288 : memref<8x2048xf32, #tpu.memory_space<hbm>>) target_semaphore(%arg8 : memref<!tpu.dma_semaphore, #tpu.memory_space<semaphore_mem>>)
      } else {
      }
      %add3A_250 = arith.constant 4 : i32
      %add3A_251 = arith.addi %add3A_244, %add3A_250 : i32
      %lt3A_252 = arith.constant 128 : i32
      %lt3A_253 = arith.cmpi slt, %add3A_251, %lt3A_252 : i32
      %ge3A_254 = arith.constant 2 : i32
      %ge3A_255 = arith.cmpi sge, %add3A_244, %ge3A_254 : i32
      %and3A_256 = arith.andi %lt3A_253, %ge3A_255 : i1
      %convert_element_type3A_257 = arith.extui %and3A_256 : i1 to i32
      %cond3A_258 = arith.constant 0 : i32
      %cond3A_259 = arith.cmpi ne, %convert_element_type3A_257, %cond3A_258 : i32
      scf.if %cond3A_259 {
        %dma_wait3A_267 = arith.constant 3 : i32
        %dma_wait3A_268 = arith.constant 0 : i32
        %dma_wait3A_269 = arith.constant 0 : i32
        %dma_wait3A_270 = tpu.memref_slice %arg6[%dma_wait3A_267, %dma_wait3A_268, %dma_wait3A_269] : memref<6x8x2048xf32, #tpu.memory_space<vmem>> -> memref<1x8x2048xf32, #tpu.memory_space<vmem>>
        %dma_wait3A_271 = tpu.memref_squeeze %dma_wait3A_270 : memref<1x8x2048xf32, #tpu.memory_space<vmem>> -> memref<8x2048xf32, #tpu.memory_space<vmem>>
        %dma_wait3A_272 = arith.constant 0 : i32
        %dma_wait3A_273 = tpu.memref_slice %arg4[%mul3A_2, %dma_wait3A_272] : memref<32768x2048xf32, #tpu.memory_space<hbm>> -> memref<8x2048xf32, #tpu.memory_space<hbm>>
        %dma_wait3A_274 = arith.constant 0 : i32
        %dma_wait3A_275 = tpu.memref_slice %arg4[%mul3A_2, %dma_wait3A_274] : memref<32768x2048xf32, #tpu.memory_space<hbm>> -> memref<8x2048xf32, #tpu.memory_space<hbm>>
        %dma_wait3A_276 = arith.constant 0 : i32
        %dma_wait3A_277 = arith.constant 0 : i32
        %dma_wait3A_278 = tpu.memref_slice %arg6[%dma_wait3A_267, %dma_wait3A_276, %dma_wait3A_277] : memref<6x8x2048xf32, #tpu.memory_space<vmem>> -> memref<1x8x2048xf32, #tpu.memory_space<vmem>>
        %dma_wait3A_279 = tpu.memref_squeeze %dma_wait3A_278 : memref<1x8x2048xf32, #tpu.memory_space<vmem>> -> memref<8x2048xf32, #tpu.memory_space<vmem>>
        tpu.wait_dma2 semaphore(%arg8 : memref<!tpu.dma_semaphore, #tpu.memory_space<semaphore_mem>>) src(%dma_wait3A_279 : memref<8x2048xf32, #tpu.memory_space<vmem>>) dst(%dma_wait3A_275 : memref<8x2048xf32, #tpu.memory_space<hbm>>)
      } else {
      }
      %add3A_260 = arith.constant 4 : i32
      %add3A_261 = arith.addi %add3A_244, %add3A_260 : i32
      %lt3A_262 = arith.constant 128 : i32
      %lt3A_263 = arith.cmpi slt, %add3A_261, %lt3A_262 : i32
      %convert_element_type3A_264 = arith.extui %lt3A_263 : i1 to i32
      %cond3A_265 = arith.constant 0 : i32
      %cond3A_266 = arith.cmpi ne, %convert_element_type3A_264, %cond3A_265 : i32
      scf.if %cond3A_266 {
        %add3A_267 = arith.constant 4 : i32
        %add3A_268 = arith.addi %add3A_244, %add3A_267 : i32
        %mul3A_269 = arith.constant 8 : i32
        %mul3A_270 = arith.muli %add3A_268, %mul3A_269 : i32
        %dma_start3A_271 = arith.constant 3 : i32
        %dma_start3A_272 = arith.constant 0 : i32
        %dma_start3A_273 = arith.constant 0 : i32
        %dma_start3A_274 = tpu.memref_slice %arg6[%dma_start3A_271, %dma_start3A_272, %dma_start3A_273] : memref<6x8x2048xf32, #tpu.memory_space<vmem>> -> memref<1x8x2048xf32, #tpu.memory_space<vmem>>
        %dma_start3A_275 = tpu.memref_squeeze %dma_start3A_274 : memref<1x8x2048xf32, #tpu.memory_space<vmem>> -> memref<8x2048xf32, #tpu.memory_space<vmem>>
        %dma_start3A_276 = tpu.memref_slice %arg5[%mul3A_270] : memref<1024xi32, #tpu.memory_space<vmem>> -> memref<8xi32, #tpu.memory_space<vmem>>
        %dma_start3A_277 = arith.constant 0 : i32
        %dma_start3A_278 = arith.constant 0 : i32
        %dma_start3A_279 = tpu.memref_slice %arg3[%dma_start3A_277, %dma_start3A_278] : memref<151936x2048xf32, #tpu.memory_space<hbm>> -> memref<151936x2048xf32, #tpu.memory_space<hbm>>
        tpu.enqueue_indirect_dma source(%dma_start3A_279 : memref<151936x2048xf32, #tpu.memory_space<hbm>>) target(%dma_start3A_275 : memref<8x2048xf32, #tpu.memory_space<vmem>>) offsets(%dma_start3A_276 : memref<8xi32, #tpu.memory_space<vmem>>) semaphore(%arg7 : memref<!tpu.dma_semaphore, #tpu.memory_space<semaphore_mem>>)
      } else {
      }
    }
    %scan3A_45 = arith.constant 22 : i32
    %dma_wait3A = arith.constant 2 : i32
    %dma_wait3A_46 = arith.constant 0 : i32
    %dma_wait3A_47 = arith.constant 0 : i32
    %dma_wait3A_48 = tpu.memref_slice %arg6[%dma_wait3A, %dma_wait3A_46, %dma_wait3A_47] : memref<6x8x2048xf32, #tpu.memory_space<vmem>> -> memref<1x8x2048xf32, #tpu.memory_space<vmem>>
    %dma_wait3A_49 = tpu.memref_squeeze %dma_wait3A_48 : memref<1x8x2048xf32, #tpu.memory_space<vmem>> -> memref<8x2048xf32, #tpu.memory_space<vmem>>
    %dma_wait3A_50 = arith.constant 0 : i32
    %dma_wait3A_51 = tpu.memref_slice %arg4[%mul3A_2, %dma_wait3A_50] : memref<32768x2048xf32, #tpu.memory_space<hbm>> -> memref<8x2048xf32, #tpu.memory_space<hbm>>
    %dma_wait3A_52 = arith.constant 0 : i32
    %dma_wait3A_53 = tpu.memref_slice %arg4[%mul3A_2, %dma_wait3A_52] : memref<32768x2048xf32, #tpu.memory_space<hbm>> -> memref<8x2048xf32, #tpu.memory_space<hbm>>
    %dma_wait3A_54 = arith.constant 0 : i32
    %dma_wait3A_55 = arith.constant 0 : i32
    %dma_wait3A_56 = tpu.memref_slice %arg6[%dma_wait3A, %dma_wait3A_54, %dma_wait3A_55] : memref<6x8x2048xf32, #tpu.memory_space<vmem>> -> memref<1x8x2048xf32, #tpu.memory_space<vmem>>
    %dma_wait3A_57 = tpu.memref_squeeze %dma_wait3A_56 : memref<1x8x2048xf32, #tpu.memory_space<vmem>> -> memref<8x2048xf32, #tpu.memory_space<vmem>>
    tpu.wait_dma2 semaphore(%arg8 : memref<!tpu.dma_semaphore, #tpu.memory_space<semaphore_mem>>) src(%dma_wait3A_57 : memref<8x2048xf32, #tpu.memory_space<vmem>>) dst(%dma_wait3A_53 : memref<8x2048xf32, #tpu.memory_space<hbm>>)
    %dma_wait3A_58 = arith.constant 3 : i32
    %dma_wait3A_59 = arith.constant 0 : i32
    %dma_wait3A_60 = arith.constant 0 : i32
    %dma_wait3A_61 = tpu.memref_slice %arg6[%dma_wait3A_58, %dma_wait3A_59, %dma_wait3A_60] : memref<6x8x2048xf32, #tpu.memory_space<vmem>> -> memref<1x8x2048xf32, #tpu.memory_space<vmem>>
    %dma_wait3A_62 = tpu.memref_squeeze %dma_wait3A_61 : memref<1x8x2048xf32, #tpu.memory_space<vmem>> -> memref<8x2048xf32, #tpu.memory_space<vmem>>
    %dma_wait3A_63 = arith.constant 0 : i32
    %dma_wait3A_64 = tpu.memref_slice %arg4[%mul3A_2, %dma_wait3A_63] : memref<32768x2048xf32, #tpu.memory_space<hbm>> -> memref<8x2048xf32, #tpu.memory_space<hbm>>
    %dma_wait3A_65 = arith.constant 0 : i32
    %dma_wait3A_66 = tpu.memref_slice %arg4[%mul3A_2, %dma_wait3A_65] : memref<32768x2048xf32, #tpu.memory_space<hbm>> -> memref<8x2048xf32, #tpu.memory_space<hbm>>
    %dma_wait3A_67 = arith.constant 0 : i32
    %dma_wait3A_68 = arith.constant 0 : i32
    %dma_wait3A_69 = tpu.memref_slice %arg6[%dma_wait3A_58, %dma_wait3A_67, %dma_wait3A_68] : memref<6x8x2048xf32, #tpu.memory_space<vmem>> -> memref<1x8x2048xf32, #tpu.memory_space<vmem>>
    %dma_wait3A_70 = tpu.memref_squeeze %dma_wait3A_69 : memref<1x8x2048xf32, #tpu.memory_space<vmem>> -> memref<8x2048xf32, #tpu.memory_space<vmem>>
    tpu.wait_dma2 semaphore(%arg8 : memref<!tpu.dma_semaphore, #tpu.memory_space<semaphore_mem>>) src(%dma_wait3A_70 : memref<8x2048xf32, #tpu.memory_space<vmem>>) dst(%dma_wait3A_66 : memref<8x2048xf32, #tpu.memory_space<hbm>>)
    %dma_wait3A_71 = arith.constant 4 : i32
    %dma_wait3A_72 = arith.constant 0 : i32
    %dma_wait3A_73 = arith.constant 0 : i32
    %dma_wait3A_74 = tpu.memref_slice %arg6[%dma_wait3A_71, %dma_wait3A_72, %dma_wait3A_73] : memref<6x8x2048xf32, #tpu.memory_space<vmem>> -> memref<1x8x2048xf32, #tpu.memory_space<vmem>>
    %dma_wait3A_75 = tpu.memref_squeeze %dma_wait3A_74 : memref<1x8x2048xf32, #tpu.memory_space<vmem>> -> memref<8x2048xf32, #tpu.memory_space<vmem>>
    %dma_wait3A_76 = arith.constant 0 : i32
    %dma_wait3A_77 = tpu.memref_slice %arg4[%mul3A_2, %dma_wait3A_76] : memref<32768x2048xf32, #tpu.memory_space<hbm>> -> memref<8x2048xf32, #tpu.memory_space<hbm>>
    %dma_wait3A_78 = arith.constant 0 : i32
    %dma_wait3A_79 = tpu.memref_slice %arg4[%mul3A_2, %dma_wait3A_78] : memref<32768x2048xf32, #tpu.memory_space<hbm>> -> memref<8x2048xf32, #tpu.memory_space<hbm>>
    %dma_wait3A_80 = arith.constant 0 : i32
    %dma_wait3A_81 = arith.constant 0 : i32
    %dma_wait3A_82 = tpu.memref_slice %arg6[%dma_wait3A_71, %dma_wait3A_80, %dma_wait3A_81] : memref<6x8x2048xf32, #tpu.memory_space<vmem>> -> memref<1x8x2048xf32, #tpu.memory_space<vmem>>
    %dma_wait3A_83 = tpu.memref_squeeze %dma_wait3A_82 : memref<1x8x2048xf32, #tpu.memory_space<vmem>> -> memref<8x2048xf32, #tpu.memory_space<vmem>>
    tpu.wait_dma2 semaphore(%arg8 : memref<!tpu.dma_semaphore, #tpu.memory_space<semaphore_mem>>) src(%dma_wait3A_83 : memref<8x2048xf32, #tpu.memory_space<vmem>>) dst(%dma_wait3A_79 : memref<8x2048xf32, #tpu.memory_space<hbm>>)
    %dma_wait3A_84 = arith.constant 5 : i32
    %dma_wait3A_85 = arith.constant 0 : i32
    %dma_wait3A_86 = arith.constant 0 : i32
    %dma_wait3A_87 = tpu.memref_slice %arg6[%dma_wait3A_84, %dma_wait3A_85, %dma_wait3A_86] : memref<6x8x2048xf32, #tpu.memory_space<vmem>> -> memref<1x8x2048xf32, #tpu.memory_space<vmem>>
    %dma_wait3A_88 = tpu.memref_squeeze %dma_wait3A_87 : memref<1x8x2048xf32, #tpu.memory_space<vmem>> -> memref<8x2048xf32, #tpu.memory_space<vmem>>
    %dma_wait3A_89 = arith.constant 0 : i32
    %dma_wait3A_90 = tpu.memref_slice %arg4[%mul3A_2, %dma_wait3A_89] : memref<32768x2048xf32, #tpu.memory_space<hbm>> -> memref<8x2048xf32, #tpu.memory_space<hbm>>
    %dma_wait3A_91 = arith.constant 0 : i32
    %dma_wait3A_92 = tpu.memref_slice %arg4[%mul3A_2, %dma_wait3A_91] : memref<32768x2048xf32, #tpu.memory_space<hbm>> -> memref<8x2048xf32, #tpu.memory_space<hbm>>
    %dma_wait3A_93 = arith.constant 0 : i32
    %dma_wait3A_94 = arith.constant 0 : i32
    %dma_wait3A_95 = tpu.memref_slice %arg6[%dma_wait3A_84, %dma_wait3A_93, %dma_wait3A_94] : memref<6x8x2048xf32, #tpu.memory_space<vmem>> -> memref<1x8x2048xf32, #tpu.memory_space<vmem>>
    %dma_wait3A_96 = tpu.memref_squeeze %dma_wait3A_95 : memref<1x8x2048xf32, #tpu.memory_space<vmem>> -> memref<8x2048xf32, #tpu.memory_space<vmem>>
    tpu.wait_dma2 semaphore(%arg8 : memref<!tpu.dma_semaphore, #tpu.memory_space<semaphore_mem>>) src(%dma_wait3A_96 : memref<8x2048xf32, #tpu.memory_space<vmem>>) dst(%dma_wait3A_92 : memref<8x2048xf32, #tpu.memory_space<hbm>>)
    %dma_wait3A_97 = arith.constant 0 : i32
    %dma_wait3A_98 = arith.constant 0 : i32
    %dma_wait3A_99 = arith.constant 0 : i32
    %dma_wait3A_100 = tpu.memref_slice %arg6[%dma_wait3A_97, %dma_wait3A_98, %dma_wait3A_99] : memref<6x8x2048xf32, #tpu.memory_space<vmem>> -> memref<1x8x2048xf32, #tpu.memory_space<vmem>>
    %dma_wait3A_101 = tpu.memref_squeeze %dma_wait3A_100 : memref<1x8x2048xf32, #tpu.memory_space<vmem>> -> memref<8x2048xf32, #tpu.memory_space<vmem>>
    %dma_wait3A_102 = arith.constant 0 : i32
    %dma_wait3A_103 = tpu.memref_slice %arg4[%mul3A_2, %dma_wait3A_102] : memref<32768x2048xf32, #tpu.memory_space<hbm>> -> memref<8x2048xf32, #tpu.memory_space<hbm>>
    %dma_wait3A_104 = arith.constant 0 : i32
    %dma_wait3A_105 = tpu.memref_slice %arg4[%mul3A_2, %dma_wait3A_104] : memref<32768x2048xf32, #tpu.memory_space<hbm>> -> memref<8x2048xf32, #tpu.memory_space<hbm>>
    %dma_wait3A_106 = arith.constant 0 : i32
    %dma_wait3A_107 = arith.constant 0 : i32
    %dma_wait3A_108 = tpu.memref_slice %arg6[%dma_wait3A_97, %dma_wait3A_106, %dma_wait3A_107] : memref<6x8x2048xf32, #tpu.memory_space<vmem>> -> memref<1x8x2048xf32, #tpu.memory_space<vmem>>
    %dma_wait3A_109 = tpu.memref_squeeze %dma_wait3A_108 : memref<1x8x2048xf32, #tpu.memory_space<vmem>> -> memref<8x2048xf32, #tpu.memory_space<vmem>>
    tpu.wait_dma2 semaphore(%arg8 : memref<!tpu.dma_semaphore, #tpu.memory_space<semaphore_mem>>) src(%dma_wait3A_109 : memref<8x2048xf32, #tpu.memory_space<vmem>>) dst(%dma_wait3A_105 : memref<8x2048xf32, #tpu.memory_space<hbm>>)
    %dma_wait3A_110 = arith.constant 1 : i32
    %dma_wait3A_111 = arith.constant 0 : i32
    %dma_wait3A_112 = arith.constant 0 : i32
    %dma_wait3A_113 = tpu.memref_slice %arg6[%dma_wait3A_110, %dma_wait3A_111, %dma_wait3A_112] : memref<6x8x2048xf32, #tpu.memory_space<vmem>> -> memref<1x8x2048xf32, #tpu.memory_space<vmem>>
    %dma_wait3A_114 = tpu.memref_squeeze %dma_wait3A_113 : memref<1x8x2048xf32, #tpu.memory_space<vmem>> -> memref<8x2048xf32, #tpu.memory_space<vmem>>
    %dma_wait3A_115 = arith.constant 0 : i32
    %dma_wait3A_116 = tpu.memref_slice %arg4[%mul3A_2, %dma_wait3A_115] : memref<32768x2048xf32, #tpu.memory_space<hbm>> -> memref<8x2048xf32, #tpu.memory_space<hbm>>
    %dma_wait3A_117 = arith.constant 0 : i32
    %dma_wait3A_118 = tpu.memref_slice %arg4[%mul3A_2, %dma_wait3A_117] : memref<32768x2048xf32, #tpu.memory_space<hbm>> -> memref<8x2048xf32, #tpu.memory_space<hbm>>
    %dma_wait3A_119 = arith.constant 0 : i32
    %dma_wait3A_120 = arith.constant 0 : i32
    %dma_wait3A_121 = tpu.memref_slice %arg6[%dma_wait3A_110, %dma_wait3A_119, %dma_wait3A_120] : memref<6x8x2048xf32, #tpu.memory_space<vmem>> -> memref<1x8x2048xf32, #tpu.memory_space<vmem>>
    %dma_wait3A_122 = tpu.memref_squeeze %dma_wait3A_121 : memref<1x8x2048xf32, #tpu.memory_space<vmem>> -> memref<8x2048xf32, #tpu.memory_space<vmem>>
    tpu.wait_dma2 semaphore(%arg8 : memref<!tpu.dma_semaphore, #tpu.memory_space<semaphore_mem>>) src(%dma_wait3A_122 : memref<8x2048xf32, #tpu.memory_space<vmem>>) dst(%dma_wait3A_118 : memref<8x2048xf32, #tpu.memory_space<hbm>>)
    return
  }
}

</mosaic_0001>

<sc_bundles>
// kernel: kernel.3.cloned.1.call-start
scs
__scs_entry_jumppad:
0x0: {  	(pc) =	sbr.rel $0x88, $3  }
0x1: {  	(tag) =	ssettag $0x0;
	lr =	simm.s32 $0x1  }
0x2: {  	[smem:$0x3F9F] =	sst lr;
	_ =	strace $0xD0000000  }
0x3: {  	_ = 	snop  }
0x4: {  	_ = 	snop  }
0x5: {  	_ = 	snop  }
0x6: {  	_ = 	snop  }
0x7: {  	_ = 	snop  }
__scs_overlays_trampoline_lowered:
0x8: {  	[smem:$0x3FAE] =	sst s0  }
0x9: {  	[smem:$0x3FAF] =	sst s1  }
0xa: {  	[smem:$0x3FB0] =	sst s2  }
0xb: {  	[smem:$0x3FB1] =	sst s3  }
0xc: {  	[smem:$0x3FB2] =	sst s4  }
0xd: {  	[smem:$0x3FB3] =	sst s5  }
0xe: {  	[smem:$0x3FB4] =	sst s6  }
0xf: {  	[smem:$0x3FB5] =	sst s7  }
0x10: {  	[smem:$0x3FB6] =	sst s8  }
0x11: {  	[smem:$0x3FB7] =	sst s9;
	s0 =	simm.s32 @!p0 $0x0  }
0x12: {  	s1 =	sld [smem:$0x3F9D];
	s0 =	simm.s32 @p0 $0x1  }
0x13: {  	[smem:$0x3FB8] =	sst s0;
	s0 =	simm.s32 @!p1 $0x0  }
0x14: {  	s2 =	sld [smem:$0x3F9C];
	s0 =	simm.s32 @p1 $0x1  }
0x15: {  	[smem:$0x3FB9] =	sst s0;
	s0 =	simm.s32 @!p2 $0x0  }
0x16: {  	s3 =	sld [smem:$0x3FDB];
	s0 =	simm.s32 @p2 $0x1  }
0x17: {  	s4 =	simm.s32 $0x1BF5;
	[smem:$0x3FBB] =	sst s0  }
0x18: {  	s0 =	sld [smem:$0x3F9E];
	_ =	swait.ge [sflag:s4], $0x0  }
0x19: {  	s7 =	sld [smem:$0x3F9F]  }
0x1a: {  	s8 =	sadd.s32 $0xFFFFE003, lr  }
0x1b: {  	s9 =	sadd.s32 $0xFFFFFEF7, lr;
	s5 =	simm.s32 $0xFFFFFFFF;
	p2 =	slt.u32 s8, $0xFFFFF086  }
0x1c: {  	p1 =	slt.u32 s9, $0xF7A;
	s5 =	simm.s32 @!p2 $0x0  }
0x1d: {  	s5 =	simm.s32 @p1 $0x1;
	p0 =	seq.s32 s7, s2  }
0x1e: {  	s7 =	smul.u32 @!p0 $0xF7A, s2;
	p2 =	seq.s32 @!p0 s5, $0x0  }
0x1f: {  	s9 =	smul.u32 $0xF7A, s1;
	s8 =	simm.s32 @!p0 $0x1BF5;
	p2 =	por !p2, p0  }
0x20: {  	[sflag:s8] =	ssyncset.s32 @!p0 $0xFFFFF086;
	s6 =	sadd.s32 @!p0 s3, s7;
	s7 =	simm.s32 @!p0 $0x108  }
0x21: {  	s3 =	sadd.s32 s3, s9;
	s6 =	sadd.s32 @!p0 $0x88, s6;
	s7 =	simm.s32 @p2 $0x1082  }
0x22: {  	[simem:s7], [sflag:s8] =	dma.local @!p0 [hbm:s6], $0xF7A  }
0x23: {  	s9 =	sor.u32 $0xD0000000, s2;
	s6 =	simm.s32 $0x108;
	_ =	swait.ge @!p0 [sflag:s8], $0x0  }
0x24: {  	s3 =	sadd.s32 $0x88, s3;
	s6 =	simm.s32 @!p1 $0x1082;
	[sflag:s4] =	ssyncset.s32 $0xFFFFF086  }
0x25: {  	[simem:s6], [sflag:s4] =	dma.local [hbm:s3], $0xF7A  }
0x26: {  	[smem:$0x3F9F] =	sst s1;
	(tag) =	ssettag s2;
	_ =	strace s9  }
0x27: {  	s1 =	sld [smem:$0x3FAF]  }
0x28: {  	s2 =	sld [smem:$0x3FB0]  }
0x29: {  	s4 =	sld [smem:$0x3FB2]  }
0x2a: {  	p0 =	seq.s32 s5, $0x0;
	s5 =	sld [smem:$0x3FB3]  }
0x2b: {  	s6 =	sld [smem:$0x3FB4]  }
0x2c: {  	s7 =	sld [smem:$0x3FB5]  }
0x2d: {  	s3 =	simm.s32 $0x108;
	s8 =	sld [smem:$0x3FB6]  }
0x2e: {  	s3 =	simm.s32 @!p0 $0x1082;
	s9 =	sld [smem:$0x3FB7]  }
0x2f: {  	lr =	sadd.s32 s0, s3;
	s0 =	sld [smem:$0x3FAE]  }
0x30: {  	s3 =	sld [smem:$0x3FB1]  }
0x31: {  	[smem:$0x3FBA] =	sst s10  }
0x32: {  	s10 =	sld [smem:$0x3FB8];
	_ =	sdelay $0x3  }
0x33: {  	p0 =	seq.s32 s10, $0x1;
	s10 =	sld [smem:$0x3FBA];
	_ =	sdelay $0x3  }
0x34: {  	[smem:$0x3FBA] =	sst s10  }
0x35: {  	s10 =	sld [smem:$0x3FB9];
	_ =	sdelay $0x3  }
0x36: {  	p1 =	seq.s32 s10, $0x1;
	s10 =	sld [smem:$0x3FBA];
	_ =	sdelay $0x3  }
0x37: {  	[smem:$0x3FBA] =	sst s10  }
0x38: {  	s10 =	sld [smem:$0x3FBB]  }
0x39: {  	_ = 	snop;
	(pc) =	sbr.ind lr, $3  }
0x3a: {  	_ = 	snop  }
0x3b: {  	_ = 	snop  }
0x3c: {  	p2 =	seq.s32 s10, $0x1;
	s10 =	sld [smem:$0x3FBA]  }
0x3d: {  	_ =	shalt  }
0x3e: {  	_ =	shalt  }
0x3f: {  	_ =	shalt  }
0x40: {  	_ =	shalt  }
0x41: {  	_ =	shalt  }
0x42: {  	_ =	shalt  }
0x43: {  	_ =	shalt  }
0x44: {  	_ =	shalt  }
0x45: {  	_ =	shalt  }
0x46: {  	_ =	shalt  }
0x47: {  	_ =	shalt  }
0x48: {  	_ =	shalt  }
0x49: {  	_ =	shalt  }
0x4a: {  	_ =	shalt  }
0x4b: {  	_ =	shalt  }
0x4c: {  	_ =	shalt  }
0x4d: {  	_ =	shalt  }
0x4e: {  	_ =	shalt  }
0x4f: {  	_ =	shalt  }
0x50: {  	_ =	shalt  }
0x51: {  	_ =	shalt  }
0x52: {  	_ =	shalt  }
0x53: {  	_ =	shalt  }
0x54: {  	_ =	shalt  }
0x55: {  	_ =	shalt  }
0x56: {  	_ =	shalt  }
0x57: {  	_ =	shalt  }
0x58: {  	_ =	shalt  }
0x59: {  	_ =	shalt  }
0x5a: {  	_ =	shalt  }
0x5b: {  	_ =	shalt  }
0x5c: {  	_ =	shalt  }
0x5d: {  	_ =	shalt  }
0x5e: {  	_ =	shalt  }
0x5f: {  	_ =	shalt  }
0x60: {  	_ =	shalt  }
0x61: {  	_ =	shalt  }
0x62: {  	_ =	shalt  }
0x63: {  	_ =	shalt  }
0x64: {  	_ =	shalt  }
0x65: {  	_ =	shalt  }
0x66: {  	_ =	shalt  }
0x67: {  	_ =	shalt  }
0x68: {  	_ =	shalt  }
0x69: {  	_ =	shalt  }
0x6a: {  	_ =	shalt  }
0x6b: {  	_ =	shalt  }
0x6c: {  	_ =	shalt  }
0x6d: {  	_ =	shalt  }
0x6e: {  	_ =	shalt  }
0x6f: {  	_ =	shalt  }
0x70: {  	_ =	shalt  }
0x71: {  	_ =	shalt  }
0x72: {  	_ =	shalt  }
0x73: {  	_ =	shalt  }
0x74: {  	_ =	shalt  }
0x75: {  	_ =	shalt  }
0x76: {  	_ =	shalt  }
0x77: {  	_ =	shalt  }
0x78: {  	_ =	shalt  }
0x79: {  	_ =	shalt  }
0x7a: {  	_ =	shalt  }
0x7b: {  	_ =	shalt  }
0x7c: {  	_ =	shalt  }
0x7d: {  	_ =	shalt  }
0x7e: {  	_ =	shalt  }
0x7f: {  	_ =	shalt  }
0x80: {  	_ =	shalt  }
0x81: {  	_ =	shalt  }
0x82: {  	_ =	shalt  }
0x83: {  	_ =	shalt  }
0x84: {  	_ =	shalt  }
0x85: {  	_ =	shalt  }
0x86: {  	_ =	shalt  }
0x87: {  	_ =	shalt  }
.Lfunc_end0:
.L_simem_size_0:
called_computation_lowered:
.L_overlay_start_0:
0x88: {  	s2 =	sld [smem:$0x3FD9]  }
0x89: {  	s3 =	sld [smem:$0x3FFE];
	_ =	sdelay $0x1  }
0x8a: {  	s1 =	srdreg.scid  }
0x8b: {  	s0 =	sand.u32 $0x1, s1  }
0x8c: {  	s17 =	sshll.u32 s0, $0xA;
	s2 =	sadd.s32 s3, s2  }
0x8d: {  	s2 =	sadd.s32 s2, s17  }
0x8e: {  	[smem:$0x3FC6] =	sst s2  }
0x8f: {  	_ = 	snop  }
0x90: {  	s2 =	sld [smem:$0x3FC8]  }
0x91: {  	s18 =	sld [smem:$0x3FD0];
	(tm) =	ssettm $0x1  }
0x92: {  	s4 =	sld [smem:$0x3FFB];
	_ =	sdelay $0x3  }
0x93: {  	_ =	strace s4  }
0x94: {  	s4 =	sld [smem:$0x3FFC];
	_ =	sdelay $0x3  }
0x95: {  	_ =	strace s4  }
0x96: {  	s4 =	sld [smem:$0x3FFD];
	_ =	sdelay $0x3  }
0x97: {  	_ =	strace s4  }
0x98: {  	_ =	strace $0x8FFFFFFF  }
0x99: {  	s19 =	sld [smem:$0x3FDB];
	_ =	sdelay $0x1  }
0x9a: {  	s5 =	simm.s32 $_scs_section_size  }
0x9b: {  	s6 =	simm.s32 $_size__tile_overlayer_lowered;
	s7 =	simm.s32 $_tile_overlayer_lowered  }
0x9c: {  	s22 =	simm.s32 $0x1BFF;
	s21 =	sshll.u32 s7, $0x1;
	s4 =	sadd.s32 s5, s19  }
0x9d: {  	s8 =	simm.s32 $0x0;
	s20 =	sshll.u32 s6, $0x1;
	s6 =	sadd.s32 s21, s4  }
0x9e: {  	[timem:s8], [sflag:s22] =	dma.local [hbm:s6], s20  }
0x9f: {  	_ =	swait.ge [sflag:s22], s20  }
0xa0: {  	s5 =	ssub.s32 $0x0, s20;
	[sflag:s22] =	ssyncset.done $0x0  }
0xa1: {  	[sflag:s22] =	ssyncadd.s32 s5;
	_ =	sdelay $0x1  }
0xa2: {  	s23 =	simm.s32 $0x1B8B  }
0xa3: {  	_ =	swait.ge [sflag:s23], $0x1  }
0xa4: {  	[sflag:s23] =	ssyncset.done $0x0  }
0xa5: {  	s25 =	simm.s32 $0x1B8E;
	s24 =	sld [smem:$0x3FFE];
	[sflag:s23] =	ssyncadd.s32 $0xFFFFFFFF  }
0xa6: {  	s26 =	simm.s32 $execute0_lowered;
	[smem:$0x3FD2] =	sst s25  }
0xa7: {  	s6 =	sshll.u32 s26, $0x1;
	_ =	strace $0x80000046;
	[dreg:$0x1] =	wrdreg $0xFFFFFFFF  }
0xa8: {  	s28 =	simm.s32 $_size_execute0_lowered;
	s4 =	sadd.s32 s4, s6;
	[dreg:$0x0] =	wrdreg $0x0  }
0xa9: {  	s6 =	sshll.u32 s28, $0x1;
	[dreg:$0x2] =	wrdreg s4  }
0xaa: {  	[dreg:$0x3] =	wrdreg s6  }
0xab: {  	[dreg:$0x4] =	wrdreg $0xC0  }
0xac: {  	_ =	task [dreg:s8], $0x5FFFF  }
0xad: {  	[dreg:$0x1] =	wrdreg $0xFFFFFFFF  }
0xae: {  	[dreg:$0x0] =	wrdreg $0x60  }
0xaf: {  	[dreg:$0x2] =	wrdreg s24  }
0xb0: {  	[dreg:$0x3] =	wrdreg s2  }
0xb1: {  	[dreg:$0x4] =	wrdreg s18  }
0xb2: {  	[dreg:$0x5] =	wrdreg $0x9  }
0xb3: {  	_ =	task.clear_ibuf [dreg:s8], $0x6FFFF;
	_ =	strace $0x90000046  }
0xb4: {  	s29 =	simm.s32 $0x9;
	_ =	strace $0x80000048  }
0xb5: {  	_ =	swait.ge [sflag:s29], $0x1  }
0xb6: {  	[sflag:s29] =	ssyncadd.s32 $0xFFFFFFFF  }
0xb7: {  	_ =	strace $0x90000048  }
0xb8: {  	_ =	sfence  }
0xb9: {  	s30 =	sld [smem:$0x0];
	_ =	sdelay $0x2  }
0xba: {  	s31 =	sshll.u32 s1, $0xD;
	s1 =	sshrl.u32 s1, $0x2  }
0xbb: {  	s3 =	sand.u32 $0x4000, s31;
	s1 =	sadd.s32 s1, s30  }
0xbc: {  	s0 =	sor.u32 s3, s0;
	s1 =	sshll.u32 s1, $0x11  }
0xbd: {  	s0 =	sor.u32 s1, s0  }
0xbe: {  	s0 =	sadd.s32 $0x8F2B, s0  }
0xbf: {  	[sflag:s0] =	ssyncadd.remote.s32 $0x1  }
0xc0: {  	_ =	sfence.sel $0xFFFF  }
0xc1: {  	[dreg:$0x0] =	wrdreg $0xFFFFFFFF;
	(pc) =	sbr.abs _section_cstart, $3  }
0xc2: {  	[dreg:$0x1] =	wrdreg $0xFFFFFFFF  }
0xc3: {  	_ =	task.clear_ibuf [dreg:s8], $0x2FFFF;
	_ =	strace $0x9FFFFFFF  }
0xc4: {  	(tm) =	ssettm $0x7FFFFFFF  }
0xc5: {  	_ =	shalt  }
tec
execute0_lowered:
.L_overlay_start_1:
0x0: {  	(tag) =	ssettag $0x1  }
0x1: {  	s0 =	rddreg [dreg:$0x0]  }
0x2: {  	s1 =	srdreg.scid;
	s2 =	rddreg [dreg:$0x1]  }
0x3: {  	s14 =	stileid.u32;
	s4 =	rddreg [dreg:$0x2]  }
0x4: {  	s3 =	simm.s32 $0x0;
	s18 =	simm.s32 $0x400;
	s17 =	simm.s32 $0xC400  }
0x5: {  	s19 =	simm.s32 $0x1;
	s20 =	simm.s32 $0x2;
	s28 =	simm.s32 $0x16C00  }
0x6: {  	s29 =	simm.s32 $0x17400;
	s30 =	simm.s32 $0x17C00;
	s31 =	simm.s32 $0x10400  }
0x7: {  	s1 =	sand.u32 $0x1, s1;
	s5 =	sshll.u32 s14, $0xB;
	[smem:$0x7FF] =	sst s3  }
0x8: {  	s7 =	sadd.s32 $0x300, s2;
	s8 =	sadd.s32 $0x400, s2;
	s9 =	sadd.s32 $0x500, s2  }
0x9: {  	s10 =	sadd.s32 $0x600, s2;
	s11 =	sadd.s32 $0x700, s2;
	s25 =	sshll.u32 s14, $0x13  }
0xa: {  	s6 =	sshll.u32 s1, $0xA;
	s21 =	ssub.s32 $0x2, s1;
	_ =	strace $0x80000047  }
0xb: {  	s26 =	sadd.s32 s25, s4;
	s1 =	sshll.u32 s1, $0x12;
	s25 =	simm.s32 $0x16400  }
0xc: {  	s12 =	sor.u32 s6, s5;
	s22 =	sshrl.u32 s21, $0x1;
	s6 =	sadd.s32 $0x200, s2  }
0xd: {  	s15 =	sadd.s32 s1, s26;
	s26 =	simm.s32 $0x4400;
	s1 =	simm.s32 $0x0  }
.Ltmp0:
0xe: {  	s5 =	sshrl.u32 s12, $0x3;
	s13 =	ssub.s32 s21, s22;
	(pc) =	sbr.rel .LBB2_1-.Ltmp0, $4  }
0xf: {  	s24 =	sshll.u32 s12, $0x8;
	s12 =	simm.s32 $0x8400;
	s21 =	simm.s32 $0x14400  }
0x10: {  	v0 =	vlaneseq.u32;
	s0 =	sadd.s32 s5, s0;
	s5 =	sadd.s32 $0x100, s2;
	s23 =	smax.u32 s13, $0x1  }
0x11: {  	v1 =	vshrl.u32 v0, $0x3;
	s13 =	sadd.s32 s24, s4;
	s0 =	sadd.s32 $0x400, s0;
	[dreg:$0x5] =	wrdreg s23  }
0x12: {  	vm0 =	vmmov $0xffff;
	v0 =	vand.u32 $0x7, v0;
	v1 =	vmul.u32 $0x8, v1;
	s14 =	sadd.s32 $0x2000, s13;
	s16 =	sadd.s32 $0x1000, s13;
	[dreg:$0x4] =	wrdreg s0  }
.LBB2_7:
0x13: {  	_ =	swait.ge [sflag:s20], $0x4000  }
0x14: {  	[sflag:s20] =	ssyncset.done $0x0  }
0x15: {  	[sflag:s20] =	ssyncadd.s32 $0xFFFFC000  }
0x16: {  	_ =	swait.ge [sflag:s20], $0x4000  }
0x17: {  	[sflag:s20] =	ssyncset.done $0x0  }
0x18: {  	[sflag:s20] =	ssyncadd.s32 $0xFFFFC000  }
0x19: {  	_ =	swait.ge [sflag:s20], $0x4000  }
0x1a: {  	[sflag:s20] =	ssyncset.done $0x0  }
0x1b: {  	[sflag:s20] =	ssyncadd.s32 $0xFFFFC000  }
0x1c: {  	_ =	swait.ge [sflag:s20], $0x4000  }
0x1d: {  	[sflag:s20] =	ssyncset.done $0x0  }
0x1e: {  	[sflag:s20] =	ssyncadd.s32 $0xFFFFC000  }
0x1f: {  	_ =	swait.ge [sflag:s20], $0x4000  }
0x20: {  	[sflag:s20] =	ssyncset.done $0x0  }
0x21: {  	[sflag:s20] =	ssyncadd.s32 $0xFFFFC000  }
0x22: {  	_ =	swait.ge [sflag:s20], $0x4000  }
0x23: {  	s1 =	rddreg [dreg:$0x6]  }
0x24: {  	s0 =	rddreg [dreg:$0x5];
	s1 =	sadd.s32 $0x1, s1  }
0x25: {  	p0 =	sne.s32 s1, s0  }
.Ltmp1:
0x26: {  	_ = 	snop;
	(pc) =	sbr.rel @!p0 .LBB2_8-.Ltmp1, $3  }
0x27: {  	_ =	sdelay $0x1  }
0x28: {  	[sflag:s20] =	ssyncset.done $0x0  }
0x29: {  	[sflag:s20] =	ssyncadd.s32 $0xFFFFC000  }
.LBB2_1:
0x2a: {  	[dreg:$0x6] =	wrdreg s1  }
0x2b: {  	s0 =	rddreg [dreg:$0x4];
	s4 =	simm.s32 $0x3  }
0x2c: {  	[tilespmem:s3], [sflag:$0x3] =	stream.linear.gather [hbm4b:s0+s3], $0x400, $0x38;
	[tilespmem:$0x18400] =	vst v63  }
0x2d: {  	_ =	swait.ge [sflag:s4], $0x400  }
0x2e: {  	[sflag:s4] =	ssyncset.done $0x0  }
0x2f: {  	[sflag:s4] =	ssyncadd.s32 $0xFFFFFC00  }
0x30: {  	v2 =	vld.msk [tilespmem:$0x0], $0xff;
	_ =	sdelay $0x4  }
0x31: {  	v3 =	vshll.u32 v2, $0x4  }
0x32: {  	v2 =	vand.u32 $0x7, v2;
	v3 =	vand.u32 $0xFFFFFF80, v3  }
0x33: {  	v2 =	vor.u32 v2, v3  }
0x34: {  	v2 =	vperm.xlane v2, v0;
	_ =	sdelay $0x1  }
0x35: {  	v2 =	vadd.s32 v1, v2;
	_ =	sdelay $0x4  }
0x36: {  	[tilespmem:s18], [sflag:$0x1] =	stream.indirect_vreg.gather [hbm4b:s2+s3], $0x80, v2, vm0, $0xb8;
	[tilespmem:$0x18400] =	vst v63  }
0x37: {  	s22 =	simm.s32 $0xC00  }
0x38: {  	[tilespmem:s22], [sflag:$0x1] =	stream.indirect_vreg.gather [hbm4b:s5+s3], $0x80, v2, vm0, $0xb8;
	[tilespmem:$0x18400] =	vst v63  }
0x39: {  	s23 =	simm.s32 $0x1400  }
0x3a: {  	[tilespmem:s23], [sflag:$0x1] =	stream.indirect_vreg.gather [hbm4b:s6+s3], $0x80, v2, vm0, $0xb8;
	[tilespmem:$0x18400] =	vst v63  }
0x3b: {  	s24 =	simm.s32 $0x1C00  }
0x3c: {  	[tilespmem:s24], [sflag:$0x1] =	stream.indirect_vreg.gather [hbm4b:s7+s3], $0x80, v2, vm0, $0xb8;
	[tilespmem:$0x18400] =	vst v63  }
0x3d: {  	s1 =	simm.s32 $0x2400  }
0x3e: {  	[tilespmem:s1], [sflag:$0x1] =	stream.indirect_vreg.gather [hbm4b:s8+s3], $0x80, v2, vm0, $0xb8;
	[tilespmem:$0x18400] =	vst v63  }
0x3f: {  	s4 =	simm.s32 $0x2C00  }
0x40: {  	[tilespmem:s4], [sflag:$0x1] =	stream.indirect_vreg.gather [hbm4b:s9+s3], $0x80, v2, vm0, $0xb8;
	[tilespmem:$0x18400] =	vst v63  }
0x41: {  	s22 =	simm.s32 $0x3400  }
0x42: {  	[tilespmem:s22], [sflag:$0x1] =	stream.indirect_vreg.gather [hbm4b:s10+s3], $0x80, v2, vm0, $0xb8;
	[tilespmem:$0x18400] =	vst v63  }
0x43: {  	s23 =	simm.s32 $0x3C00  }
0x44: {  	[tilespmem:s23], [sflag:$0x1] =	stream.indirect_vreg.gather [hbm4b:s11+s3], $0x80, v2, vm0, $0xb8;
	[tilespmem:$0x18400] =	vst v63  }
0x45: {  	v2 =	vld.msk [tilespmem:$0x8], $0xff;
	_ =	sdelay $0x4  }
0x46: {  	v3 =	vshll.u32 v2, $0x4  }
0x47: {  	v2 =	vand.u32 $0x7, v2;
	v3 =	vand.u32 $0xFFFFFF80, v3  }
0x48: {  	v2 =	vor.u32 v2, v3  }
0x49: {  	v2 =	vperm.xlane v2, v0;
	_ =	sdelay $0x1  }
0x4a: {  	v2 =	vadd.s32 v1, v2;
	_ =	sdelay $0x4  }
0x4b: {  	[tilespmem:s26], [sflag:$0x1] =	stream.indirect_vreg.gather [hbm4b:s2+s3], $0x80, v2, vm0, $0xb8;
	[tilespmem:$0x18400] =	vst v63  }
0x4c: {  	s24 =	simm.s32 $0x4C00  }
0x4d: {  	[tilespmem:s24], [sflag:$0x1] =	stream.indirect_vreg.gather [hbm4b:s5+s3], $0x80, v2, vm0, $0xb8;
	[tilespmem:$0x18400] =	vst v63  }
0x4e: {  	s1 =	simm.s32 $0x5400  }
0x4f: {  	[tilespmem:s1], [sflag:$0x1] =	stream.indirect_vreg.gather [hbm4b:s6+s3], $0x80, v2, vm0, $0xb8;
	[tilespmem:$0x18400] =	vst v63  }
0x50: {  	s4 =	simm.s32 $0x5C00  }
0x51: {  	[tilespmem:s4], [sflag:$0x1] =	stream.indirect_vreg.gather [hbm4b:s7+s3], $0x80, v2, vm0, $0xb8;
	[tilespmem:$0x18400] =	vst v63  }
0x52: {  	s22 =	simm.s32 $0x6400  }
0x53: {  	[tilespmem:s22], [sflag:$0x1] =	stream.indirect_vreg.gather [hbm4b:s8+s3], $0x80, v2, vm0, $0xb8;
	[tilespmem:$0x18400] =	vst v63  }
0x54: {  	s23 =	simm.s32 $0x6C00  }
0x55: {  	[tilespmem:s23], [sflag:$0x1] =	stream.indirect_vreg.gather [hbm4b:s9+s3], $0x80, v2, vm0, $0xb8;
	[tilespmem:$0x18400] =	vst v63  }
0x56: {  	s24 =	simm.s32 $0x7400  }
0x57: {  	[tilespmem:s24], [sflag:$0x1] =	stream.indirect_vreg.gather [hbm4b:s10+s3], $0x80, v2, vm0, $0xb8;
	[tilespmem:$0x18400] =	vst v63  }
0x58: {  	s1 =	simm.s32 $0x7C00  }
0x59: {  	[tilespmem:s1], [sflag:$0x1] =	stream.indirect_vreg.gather [hbm4b:s11+s3], $0x80, v2, vm0, $0xb8;
	[tilespmem:$0x18400] =	vst v63  }
0x5a: {  	v2 =	vld.msk [tilespmem:$0x10], $0xff;
	_ =	sdelay $0x4  }
0x5b: {  	v3 =	vshll.u32 v2, $0x4  }
0x5c: {  	v2 =	vand.u32 $0x7, v2;
	v3 =	vand.u32 $0xFFFFFF80, v3  }
0x5d: {  	v2 =	vor.u32 v2, v3  }
0x5e: {  	v2 =	vperm.xlane v2, v0;
	_ =	sdelay $0x1  }
0x5f: {  	v2 =	vadd.s32 v1, v2;
	_ =	sdelay $0x4  }
0x60: {  	[tilespmem:s12], [sflag:$0x1] =	stream.indirect_vreg.gather [hbm4b:s2+s3], $0x80, v2, vm0, $0xb8;
	[tilespmem:$0x18400] =	vst v63  }
0x61: {  	s4 =	simm.s32 $0x8C00  }
0x62: {  	[tilespmem:s4], [sflag:$0x1] =	stream.indirect_vreg.gather [hbm4b:s5+s3], $0x80, v2, vm0, $0xb8;
	[tilespmem:$0x18400] =	vst v63  }
0x63: {  	s22 =	simm.s32 $0x9400  }
0x64: {  	[tilespmem:s22], [sflag:$0x1] =	stream.indirect_vreg.gather [hbm4b:s6+s3], $0x80, v2, vm0, $0xb8;
	[tilespmem:$0x18400] =	vst v63  }
0x65: {  	s23 =	simm.s32 $0x9C00  }
0x66: {  	[tilespmem:s23], [sflag:$0x1] =	stream.indirect_vreg.gather [hbm4b:s7+s3], $0x80, v2, vm0, $0xb8;
	[tilespmem:$0x18400] =	vst v63  }
0x67: {  	s24 =	simm.s32 $0xA400  }
0x68: {  	[tilespmem:s24], [sflag:$0x1] =	stream.indirect_vreg.gather [hbm4b:s8+s3], $0x80, v2, vm0, $0xb8;
	[tilespmem:$0x18400] =	vst v63  }
0x69: {  	s1 =	simm.s32 $0xAC00  }
0x6a: {  	[tilespmem:s1], [sflag:$0x1] =	stream.indirect_vreg.gather [hbm4b:s9+s3], $0x80, v2, vm0, $0xb8;
	[tilespmem:$0x18400] =	vst v63  }
0x6b: {  	s4 =	simm.s32 $0xB400  }
0x6c: {  	[tilespmem:s4], [sflag:$0x1] =	stream.indirect_vreg.gather [hbm4b:s10+s3], $0x80, v2, vm0, $0xb8;
	[tilespmem:$0x18400] =	vst v63  }
0x6d: {  	s22 =	simm.s32 $0xBC00  }
0x6e: {  	[tilespmem:s22], [sflag:$0x1] =	stream.indirect_vreg.gather [hbm4b:s11+s3], $0x80, v2, vm0, $0xb8;
	[tilespmem:$0x18400] =	vst v63  }
0x6f: {  	v2 =	vld.msk [tilespmem:$0x18], $0xff;
	_ =	sdelay $0x4  }
0x70: {  	v3 =	vshll.u32 v2, $0x4  }
0x71: {  	v2 =	vand.u32 $0x7, v2;
	v3 =	vand.u32 $0xFFFFFF80, v3  }
0x72: {  	v2 =	vor.u32 v2, v3  }
0x73: {  	v2 =	vperm.xlane v2, v0;
	_ =	sdelay $0x1  }
0x74: {  	v2 =	vadd.s32 v1, v2;
	_ =	sdelay $0x4  }
0x75: {  	[tilespmem:s17], [sflag:$0x1] =	stream.indirect_vreg.gather [hbm4b:s2+s3], $0x80, v2, vm0, $0xb8;
	[tilespmem:$0x18400] =	vst v63  }
0x76: {  	s23 =	simm.s32 $0xCC00  }
0x77: {  	[tilespmem:s23], [sflag:$0x1] =	stream.indirect_vreg.gather [hbm4b:s5+s3], $0x80, v2, vm0, $0xb8;
	[tilespmem:$0x18400] =	vst v63  }
0x78: {  	s24 =	simm.s32 $0xD400  }
0x79: {  	[tilespmem:s24], [sflag:$0x1] =	stream.indirect_vreg.gather [hbm4b:s6+s3], $0x80, v2, vm0, $0xb8;
	[tilespmem:$0x18400] =	vst v63  }
0x7a: {  	s1 =	simm.s32 $0xDC00  }
0x7b: {  	[tilespmem:s1], [sflag:$0x1] =	stream.indirect_vreg.gather [hbm4b:s7+s3], $0x80, v2, vm0, $0xb8;
	[tilespmem:$0x18400] =	vst v63  }
0x7c: {  	s4 =	simm.s32 $0xE400  }
0x7d: {  	[tilespmem:s4], [sflag:$0x1] =	stream.indirect_vreg.gather [hbm4b:s8+s3], $0x80, v2, vm0, $0xb8;
	[tilespmem:$0x18400] =	vst v63  }
0x7e: {  	s22 =	simm.s32 $0xEC00  }
0x7f: {  	[tilespmem:s22], [sflag:$0x1] =	stream.indirect_vreg.gather [hbm4b:s9+s3], $0x80, v2, vm0, $0xb8;
	[tilespmem:$0x18400] =	vst v63  }
.Ltmp2:
0x80: {  	_ = 	snop;
	(pc) =	sbr.rel .LBB2_2-.Ltmp2, $4  }
0x81: {  	s0 =	simm.s32 $0x0;
	s23 =	simm.s32 $0xF400  }
0x82: {  	[tilespmem:s23], [sflag:$0x1] =	stream.indirect_vreg.gather [hbm4b:s10+s3], $0x80, v2, vm0, $0xb8;
	[tilespmem:$0x18400] =	vst v63  }
0x83: {  	s24 =	simm.s32 $0xFC00;
	s1 =	simm.s32 $0x28;
	s4 =	simm.s32 $0x0  }
0x84: {  	[tilespmem:s24], [sflag:$0x1] =	stream.indirect_vreg.gather [hbm4b:s11+s3], $0x80, v2, vm0, $0xb8;
	[tilespmem:$0x18400] =	vst v63  }
.LBB2_5:
0x85: {  	_ =	swait.ge [sflag:s19], $0x4000  }
0x86: {  	[sflag:s19] =	ssyncset.done $0x0  }
0x87: {  	s22 =	sadd.s32 $0x2800, s22;
	[sflag:s19] =	ssyncadd.s32 $0xFFFFC000  }
0x88: {  	[hbm4b:s22+s3] =	stream.linear.scatter [tilespmem:s21], [sflag:$0x2], $0x4000, $0x38;
	[tilespmem:$0x18400] =	vst v63  }
.LBB2_6:
0x89: {  	s0 =	sadd.s32 $0x3000, s0  }
0x8a: {  	p0 =	sne.s32 s0, $0x42000  }
.Ltmp3:
0x8b: {  	_ = 	snop;
	(pc) =	sbr.rel @!p0 .LBB2_7-.Ltmp3, $2  }
0x8c: {  	_ =	sdelay $0x2  }
0x8d: {  	s4 =	sadd.s32 $0x1, s4;
	s1 =	sadd.s32 $0x30, s1  }
.LBB2_2:
0x8e: {  	_ =	swait.ge [sflag:s19], $0x4000;
	p0 =	seq.s32 s4, $0x0  }
0x8f: {  	[sflag:s19] =	ssyncset.done $0x0;
	p1 =	seq.s32 @!p0 s4, $0x15  }
0x90: {  	s22 =	sadd.s32 s0, s15;
	[sflag:s19] =	ssyncadd.s32 $0xFFFFC000;
	p0 =	por p1, p0  }
0x91: {  	[hbm4b:s22+s3] =	stream.linear.scatter [tilespmem:s18], [sflag:$0x2], $0x4000, $0x38;
	[tilespmem:$0x18400] =	vst v63  }
0x92: {  	s23 =	simm.s32 @!p0 $0x2  }
0x93: {  	_ =	swait.ge @!p0 [sflag:s23], $0x4000  }
0x94: {  	[sflag:s23] =	ssyncset.done @!p0 $0x0  }
0x95: {  	p1 =	seq.s32 s0, $0x3F000;
	[sflag:s23] =	ssyncadd.s32 @!p0 $0xFFFFC000  }
0x96: {  	v2 =	vld.msk @!p1 [tilespmem:s1+$0xFFFFFFF8], $0xff;
	_ =	sdelay $0x4  }
0x97: {  	v3 =	vshll.u32 @!p1 v2, $0x4  }
0x98: {  	v4 =	vlaneseq.u32 @!p1;
	v2 =	vand.u32 @!p1 $0x7, v2;
	v3 =	vand.u32 @!p1 $0xFFFFFF80, v3  }
0x99: {  	v2 =	vor.u32 @!p1 v2, v3;
	v3 =	vand.u32 @!p1 $0x7, v4;
	v4 =	vshrl.u32 @!p1 v4, $0x3  }
0x9a: {  	v2 =	vperm.xlane @!p1 v2, v3;
	v3 =	vmul.u32 @!p1 $0x8, v4;
	_ =	sdelay $0x1  }
0x9b: {  	v2 =	vadd.s32 @!p1 v3, v2;
	_ =	sdelay $0x3  }
0x9c: {  	vm1 =	vmmov @!p1 $0xffff;
	s22 =	simm.s32 @!p1 $0x0;
	s24 =	simm.s32 @!p1 $0x10400  }
0x9d: {  	[tilespmem:s24], [sflag:$0x1] =	stream.indirect_vreg.gather @!p1 [hbm4b:s2+s22], $0x80, v2, vm1, $0xb8;
	[tilespmem:$0x18400] =	vst v63  }
0x9e: {  	s24 =	simm.s32 @!p1 $0x10C00  }
0x9f: {  	[tilespmem:s24], [sflag:$0x1] =	stream.indirect_vreg.gather @!p1 [hbm4b:s5+s22], $0x80, v2, vm1, $0xb8;
	[tilespmem:$0x18400] =	vst v63  }
0xa0: {  	s24 =	simm.s32 @!p1 $0x11400  }
0xa1: {  	[tilespmem:s24], [sflag:$0x1] =	stream.indirect_vreg.gather @!p1 [hbm4b:s6+s22], $0x80, v2, vm1, $0xb8;
	[tilespmem:$0x18400] =	vst v63  }
0xa2: {  	s24 =	simm.s32 @!p1 $0x11C00  }
0xa3: {  	[tilespmem:s24], [sflag:$0x1] =	stream.indirect_vreg.gather @!p1 [hbm4b:s7+s22], $0x80, v2, vm1, $0xb8;
	[tilespmem:$0x18400] =	vst v63  }
0xa4: {  	s24 =	simm.s32 @!p1 $0x12400  }
0xa5: {  	[tilespmem:s24], [sflag:$0x1] =	stream.indirect_vreg.gather @!p1 [hbm4b:s8+s22], $0x80, v2, vm1, $0xb8;
	[tilespmem:$0x18400] =	vst v63  }
0xa6: {  	s24 =	simm.s32 @!p1 $0x12C00  }
0xa7: {  	[tilespmem:s24], [sflag:$0x1] =	stream.indirect_vreg.gather @!p1 [hbm4b:s9+s22], $0x80, v2, vm1, $0xb8;
	[tilespmem:$0x18400] =	vst v63  }
0xa8: {  	s24 =	simm.s32 @!p1 $0x13400  }
0xa9: {  	[tilespmem:s24], [sflag:$0x1] =	stream.indirect_vreg.gather @!p1 [hbm4b:s10+s22], $0x80, v2, vm1, $0xb8;
	[tilespmem:$0x18400] =	vst v63  }
0xaa: {  	s24 =	simm.s32 @!p1 $0x13C00  }
0xab: {  	[tilespmem:s24], [sflag:$0x1] =	stream.indirect_vreg.gather @!p1 [hbm4b:s11+s22], $0x80, v2, vm1, $0xb8;
	[tilespmem:$0x18400] =	vst v63  }
0xac: {  	_ =	swait.ge [sflag:s19], $0x4000  }
0xad: {  	s22 =	sadd.s32 s0, s13;
	[sflag:s19] =	ssyncset.done $0x0  }
.Ltmp4:
0xae: {  	s24 =	sadd.s32 $0x800, s22;
	[sflag:s19] =	ssyncadd.s32 $0xFFFFC000;
	(pc) =	sbr.rel @p1 .LBB2_7-.Ltmp4, $4  }
0xaf: {  	[hbm4b:s24+s3] =	stream.linear.scatter [tilespmem:s26], [sflag:$0x2], $0x4000, $0x38;
	[tilespmem:$0x18400] =	vst v63  }
0xb0: {  	_ =	swait.ge @!p0 [sflag:s23], $0x4000  }
0xb1: {  	[sflag:s23] =	ssyncset.done @!p0 $0x0  }
0xb2: {  	[sflag:s23] =	ssyncadd.s32 @!p0 $0xFFFFC000  }
0xb3: {  	v2 =	vld.msk [tilespmem:s1+$0x0], $0xff;
	_ =	sdelay $0x4  }
0xb4: {  	v3 =	vshll.u32 v2, $0x4  }
0xb5: {  	v2 =	vand.u32 $0x7, v2;
	v3 =	vand.u32 $0xFFFFFF80, v3  }
0xb6: {  	v2 =	vor.u32 v2, v3  }
0xb7: {  	v2 =	vperm.xlane v2, v0;
	_ =	sdelay $0x1  }
0xb8: {  	v2 =	vadd.s32 v1, v2;
	_ =	sdelay $0x4  }
0xb9: {  	[tilespmem:s21], [sflag:$0x1] =	stream.indirect_vreg.gather [hbm4b:s2+s3], $0x80, v2, vm0, $0xb8;
	[tilespmem:$0x18400] =	vst v63  }
0xba: {  	s23 =	simm.s32 $0x14C00  }
0xbb: {  	[tilespmem:s23], [sflag:$0x1] =	stream.indirect_vreg.gather [hbm4b:s5+s3], $0x80, v2, vm0, $0xb8;
	[tilespmem:$0x18400] =	vst v63  }
0xbc: {  	s24 =	simm.s32 $0x15400  }
0xbd: {  	[tilespmem:s24], [sflag:$0x1] =	stream.indirect_vreg.gather [hbm4b:s6+s3], $0x80, v2, vm0, $0xb8;
	[tilespmem:$0x18400] =	vst v63  }
0xbe: {  	s24 =	simm.s32 $0x15C00  }
0xbf: {  	[tilespmem:s24], [sflag:$0x1] =	stream.indirect_vreg.gather [hbm4b:s7+s3], $0x80, v2, vm0, $0xb8;
	[tilespmem:$0x18400] =	vst v63  }
0xc0: {  	_ = 	snop  }
0xc1: {  	[tilespmem:s25], [sflag:$0x1] =	stream.indirect_vreg.gather [hbm4b:s8+s3], $0x80, v2, vm0, $0xb8;
	[tilespmem:$0x18400] =	vst v63  }
0xc2: {  	_ = 	snop  }
0xc3: {  	[tilespmem:s28], [sflag:$0x1] =	stream.indirect_vreg.gather [hbm4b:s9+s3], $0x80, v2, vm0, $0xb8;
	[tilespmem:$0x18400] =	vst v63  }
0xc4: {  	_ = 	snop  }
0xc5: {  	[tilespmem:s29], [sflag:$0x1] =	stream.indirect_vreg.gather [hbm4b:s10+s3], $0x80, v2, vm0, $0xb8;
	[tilespmem:$0x18400] =	vst v63  }
0xc6: {  	_ = 	snop  }
0xc7: {  	[tilespmem:s30], [sflag:$0x1] =	stream.indirect_vreg.gather [hbm4b:s11+s3], $0x80, v2, vm0, $0xb8;
	[tilespmem:$0x18400] =	vst v63  }
0xc8: {  	_ =	swait.ge [sflag:s19], $0x4000  }
0xc9: {  	[sflag:s19] =	ssyncset.done $0x0  }
0xca: {  	s24 =	sadd.s32 s0, s16;
	[sflag:s19] =	ssyncadd.s32 $0xFFFFC000  }
0xcb: {  	[hbm4b:s24+s3] =	stream.linear.scatter [tilespmem:s12], [sflag:$0x2], $0x4000, $0x38;
	[tilespmem:$0x18400] =	vst v63  }
0xcc: {  	_ =	swait.ge [sflag:s20], $0x4000  }
0xcd: {  	[sflag:s20] =	ssyncset.done $0x0  }
0xce: {  	[sflag:s20] =	ssyncadd.s32 $0xFFFFC000  }
0xcf: {  	v2 =	vld.msk [tilespmem:s1+$0x8], $0xff;
	_ =	sdelay $0x4  }
0xd0: {  	v3 =	vshll.u32 v2, $0x4  }
0xd1: {  	v2 =	vand.u32 $0x7, v2;
	v3 =	vand.u32 $0xFFFFFF80, v3  }
0xd2: {  	v2 =	vor.u32 v2, v3  }
0xd3: {  	v2 =	vperm.xlane v2, v0;
	_ =	sdelay $0x1  }
0xd4: {  	v2 =	vadd.s32 v1, v2;
	_ =	sdelay $0x4  }
0xd5: {  	[tilespmem:s18], [sflag:$0x1] =	stream.indirect_vreg.gather [hbm4b:s2+s3], $0x80, v2, vm0, $0xb8;
	[tilespmem:$0x18400] =	vst v63  }
0xd6: {  	s24 =	simm.s32 $0xC00  }
0xd7: {  	[tilespmem:s24], [sflag:$0x1] =	stream.indirect_vreg.gather [hbm4b:s5+s3], $0x80, v2, vm0, $0xb8;
	[tilespmem:$0x18400] =	vst v63  }
0xd8: {  	s24 =	simm.s32 $0x1400  }
0xd9: {  	[tilespmem:s24], [sflag:$0x1] =	stream.indirect_vreg.gather [hbm4b:s6+s3], $0x80, v2, vm0, $0xb8;
	[tilespmem:$0x18400] =	vst v63  }
0xda: {  	s24 =	simm.s32 $0x1C00  }
0xdb: {  	[tilespmem:s24], [sflag:$0x1] =	stream.indirect_vreg.gather [hbm4b:s7+s3], $0x80, v2, vm0, $0xb8;
	[tilespmem:$0x18400] =	vst v63  }
0xdc: {  	s24 =	simm.s32 $0x2400  }
0xdd: {  	[tilespmem:s24], [sflag:$0x1] =	stream.indirect_vreg.gather [hbm4b:s8+s3], $0x80, v2, vm0, $0xb8;
	[tilespmem:$0x18400] =	vst v63  }
0xde: {  	s24 =	simm.s32 $0x2C00  }
0xdf: {  	[tilespmem:s24], [sflag:$0x1] =	stream.indirect_vreg.gather [hbm4b:s9+s3], $0x80, v2, vm0, $0xb8;
	[tilespmem:$0x18400] =	vst v63  }
0xe0: {  	s24 =	simm.s32 $0x3400  }
0xe1: {  	[tilespmem:s24], [sflag:$0x1] =	stream.indirect_vreg.gather [hbm4b:s10+s3], $0x80, v2, vm0, $0xb8;
	[tilespmem:$0x18400] =	vst v63  }
0xe2: {  	s24 =	simm.s32 $0x3C00  }
0xe3: {  	[tilespmem:s24], [sflag:$0x1] =	stream.indirect_vreg.gather [hbm4b:s11+s3], $0x80, v2, vm0, $0xb8;
	[tilespmem:$0x18400] =	vst v63  }
0xe4: {  	_ =	swait.ge [sflag:s19], $0x4000  }
0xe5: {  	[sflag:s19] =	ssyncset.done $0x0  }
0xe6: {  	s24 =	sadd.s32 $0x1800, s22;
	[sflag:s19] =	ssyncadd.s32 $0xFFFFC000  }
0xe7: {  	[hbm4b:s24+s3] =	stream.linear.scatter [tilespmem:s17], [sflag:$0x2], $0x4000, $0x38;
	[tilespmem:$0x18400] =	vst v63  }
0xe8: {  	_ =	swait.ge [sflag:s20], $0x4000  }
0xe9: {  	[sflag:s20] =	ssyncset.done $0x0  }
0xea: {  	[sflag:s20] =	ssyncadd.s32 $0xFFFFC000  }
0xeb: {  	v2 =	vld.msk [tilespmem:s1+$0x10], $0xff;
	_ =	sdelay $0x4  }
0xec: {  	v3 =	vshll.u32 v2, $0x4  }
0xed: {  	v2 =	vand.u32 $0x7, v2;
	v3 =	vand.u32 $0xFFFFFF80, v3  }
0xee: {  	v2 =	vor.u32 v2, v3  }
0xef: {  	v2 =	vperm.xlane v2, v0;
	_ =	sdelay $0x1  }
0xf0: {  	v2 =	vadd.s32 v1, v2;
	_ =	sdelay $0x4  }
0xf1: {  	[tilespmem:s26], [sflag:$0x1] =	stream.indirect_vreg.gather [hbm4b:s2+s3], $0x80, v2, vm0, $0xb8;
	[tilespmem:$0x18400] =	vst v63  }
0xf2: {  	s24 =	simm.s32 $0x4C00  }
0xf3: {  	[tilespmem:s24], [sflag:$0x1] =	stream.indirect_vreg.gather [hbm4b:s5+s3], $0x80, v2, vm0, $0xb8;
	[tilespmem:$0x18400] =	vst v63  }
0xf4: {  	s24 =	simm.s32 $0x5400  }
0xf5: {  	[tilespmem:s24], [sflag:$0x1] =	stream.indirect_vreg.gather [hbm4b:s6+s3], $0x80, v2, vm0, $0xb8;
	[tilespmem:$0x18400] =	vst v63  }
0xf6: {  	s24 =	simm.s32 $0x5C00  }
0xf7: {  	[tilespmem:s24], [sflag:$0x1] =	stream.indirect_vreg.gather [hbm4b:s7+s3], $0x80, v2, vm0, $0xb8;
	[tilespmem:$0x18400] =	vst v63  }
0xf8: {  	s24 =	simm.s32 $0x6400  }
0xf9: {  	[tilespmem:s24], [sflag:$0x1] =	stream.indirect_vreg.gather [hbm4b:s8+s3], $0x80, v2, vm0, $0xb8;
	[tilespmem:$0x18400] =	vst v63  }
0xfa: {  	s24 =	simm.s32 $0x6C00  }
0xfb: {  	[tilespmem:s24], [sflag:$0x1] =	stream.indirect_vreg.gather [hbm4b:s9+s3], $0x80, v2, vm0, $0xb8;
	[tilespmem:$0x18400] =	vst v63  }
0xfc: {  	s24 =	simm.s32 $0x7400  }
0xfd: {  	[tilespmem:s24], [sflag:$0x1] =	stream.indirect_vreg.gather [hbm4b:s10+s3], $0x80, v2, vm0, $0xb8;
	[tilespmem:$0x18400] =	vst v63  }
0xfe: {  	p0 =	sgt.u32 s4, $0x13;
	s24 =	simm.s32 $0x7C00  }
0xff: {  	[tilespmem:s24], [sflag:$0x1] =	stream.indirect_vreg.gather [hbm4b:s11+s3], $0x80, v2, vm0, $0xb8;
	[tilespmem:$0x18400] =	vst v63  }
.Ltmp5:
0x100: {  	_ = 	snop;
	(pc) =	sbr.rel @p0 .LBB2_5-.Ltmp5, $4  }
0x101: {  	_ =	swait.ge [sflag:s19], $0x4000  }
0x102: {  	[sflag:s19] =	ssyncset.done $0x0  }
0x103: {  	s24 =	sadd.s32 s0, s14;
	[sflag:s19] =	ssyncadd.s32 $0xFFFFC000  }
0x104: {  	[hbm4b:s24+s3] =	stream.linear.scatter [tilespmem:s31], [sflag:$0x2], $0x4000, $0x38;
	[tilespmem:$0x18400] =	vst v63  }
0x105: {  	_ =	swait.ge [sflag:s20], $0x4000  }
0x106: {  	[sflag:s20] =	ssyncset.done $0x0  }
0x107: {  	[sflag:s20] =	ssyncadd.s32 $0xFFFFC000  }
0x108: {  	v2 =	vld.msk [tilespmem:s1+$0x18], $0xff;
	_ =	sdelay $0x4  }
0x109: {  	v3 =	vshll.u32 v2, $0x4  }
0x10a: {  	v2 =	vand.u32 $0x7, v2;
	v3 =	vand.u32 $0xFFFFFF80, v3  }
0x10b: {  	v2 =	vor.u32 v2, v3  }
0x10c: {  	v2 =	vperm.xlane v2, v0;
	_ =	sdelay $0x1  }
0x10d: {  	v2 =	vadd.s32 v1, v2;
	_ =	sdelay $0x4  }
0x10e: {  	[tilespmem:s12], [sflag:$0x1] =	stream.indirect_vreg.gather [hbm4b:s2+s3], $0x80, v2, vm0, $0xb8;
	[tilespmem:$0x18400] =	vst v63  }
0x10f: {  	s23 =	simm.s32 $0x8C00  }
0x110: {  	[tilespmem:s23], [sflag:$0x1] =	stream.indirect_vreg.gather [hbm4b:s5+s3], $0x80, v2, vm0, $0xb8;
	[tilespmem:$0x18400] =	vst v63  }
0x111: {  	s24 =	simm.s32 $0x9400  }
0x112: {  	[tilespmem:s24], [sflag:$0x1] =	stream.indirect_vreg.gather [hbm4b:s6+s3], $0x80, v2, vm0, $0xb8;
	[tilespmem:$0x18400] =	vst v63  }
0x113: {  	s24 =	simm.s32 $0x9C00  }
0x114: {  	[tilespmem:s24], [sflag:$0x1] =	stream.indirect_vreg.gather [hbm4b:s7+s3], $0x80, v2, vm0, $0xb8;
	[tilespmem:$0x18400] =	vst v63  }
0x115: {  	s24 =	simm.s32 $0xA400  }
0x116: {  	[tilespmem:s24], [sflag:$0x1] =	stream.indirect_vreg.gather [hbm4b:s8+s3], $0x80, v2, vm0, $0xb8;
	[tilespmem:$0x18400] =	vst v63  }
0x117: {  	s24 =	simm.s32 $0xAC00  }
0x118: {  	[tilespmem:s24], [sflag:$0x1] =	stream.indirect_vreg.gather [hbm4b:s9+s3], $0x80, v2, vm0, $0xb8;
	[tilespmem:$0x18400] =	vst v63  }
0x119: {  	s24 =	simm.s32 $0xB400  }
0x11a: {  	[tilespmem:s24], [sflag:$0x1] =	stream.indirect_vreg.gather [hbm4b:s10+s3], $0x80, v2, vm0, $0xb8;
	[tilespmem:$0x18400] =	vst v63  }
0x11b: {  	s24 =	simm.s32 $0xBC00  }
0x11c: {  	[tilespmem:s24], [sflag:$0x1] =	stream.indirect_vreg.gather [hbm4b:s11+s3], $0x80, v2, vm0, $0xb8;
	[tilespmem:$0x18400] =	vst v63  }
0x11d: {  	_ =	swait.ge [sflag:s19], $0x4000  }
0x11e: {  	[sflag:s19] =	ssyncset.done $0x0  }
0x11f: {  	s22 =	sadd.s32 $0x2800, s22;
	[sflag:s19] =	ssyncadd.s32 $0xFFFFC000  }
0x120: {  	[hbm4b:s22+s3] =	stream.linear.scatter [tilespmem:s21], [sflag:$0x2], $0x4000, $0x38;
	[tilespmem:$0x18400] =	vst v63  }
0x121: {  	_ =	swait.ge [sflag:s20], $0x4000  }
0x122: {  	[sflag:s20] =	ssyncset.done $0x0  }
0x123: {  	[sflag:s20] =	ssyncadd.s32 $0xFFFFC000  }
0x124: {  	v2 =	vld.msk [tilespmem:s1+$0x20], $0xff;
	_ =	sdelay $0x4  }
0x125: {  	v3 =	vshll.u32 v2, $0x4  }
0x126: {  	v2 =	vand.u32 $0x7, v2;
	v3 =	vand.u32 $0xFFFFFF80, v3  }
0x127: {  	v2 =	vor.u32 v2, v3  }
0x128: {  	v2 =	vperm.xlane v2, v0;
	_ =	sdelay $0x1  }
0x129: {  	v2 =	vadd.s32 v1, v2;
	_ =	sdelay $0x4  }
0x12a: {  	[tilespmem:s17], [sflag:$0x1] =	stream.indirect_vreg.gather [hbm4b:s2+s3], $0x80, v2, vm0, $0xb8;
	[tilespmem:$0x18400] =	vst v63  }
0x12b: {  	s24 =	simm.s32 $0xCC00  }
0x12c: {  	[tilespmem:s24], [sflag:$0x1] =	stream.indirect_vreg.gather [hbm4b:s5+s3], $0x80, v2, vm0, $0xb8;
	[tilespmem:$0x18400] =	vst v63  }
0x12d: {  	s23 =	simm.s32 $0xD400  }
0x12e: {  	[tilespmem:s23], [sflag:$0x1] =	stream.indirect_vreg.gather [hbm4b:s6+s3], $0x80, v2, vm0, $0xb8;
	[tilespmem:$0x18400] =	vst v63  }
0x12f: {  	s24 =	simm.s32 $0xDC00  }
0x130: {  	[tilespmem:s24], [sflag:$0x1] =	stream.indirect_vreg.gather [hbm4b:s7+s3], $0x80, v2, vm0, $0xb8;
	[tilespmem:$0x18400] =	vst v63  }
0x131: {  	s23 =	simm.s32 $0xE400  }
0x132: {  	[tilespmem:s23], [sflag:$0x1] =	stream.indirect_vreg.gather [hbm4b:s8+s3], $0x80, v2, vm0, $0xb8;
	[tilespmem:$0x18400] =	vst v63  }
0x133: {  	s24 =	simm.s32 $0xEC00  }
0x134: {  	[tilespmem:s24], [sflag:$0x1] =	stream.indirect_vreg.gather [hbm4b:s9+s3], $0x80, v2, vm0, $0xb8;
	[tilespmem:$0x18400] =	vst v63  }
.Ltmp6:
0x135: {  	_ = 	snop;
	(pc) =	sbr.rel .LBB2_6-.Ltmp6, $4  }
0x136: {  	s23 =	simm.s32 $0xF400  }
0x137: {  	[tilespmem:s23], [sflag:$0x1] =	stream.indirect_vreg.gather [hbm4b:s10+s3], $0x80, v2, vm0, $0xb8;
	[tilespmem:$0x18400] =	vst v63  }
0x138: {  	s24 =	simm.s32 $0xFC00  }
0x139: {  	[tilespmem:s24], [sflag:$0x1] =	stream.indirect_vreg.gather [hbm4b:s11+s3], $0x80, v2, vm0, $0xb8;
	[tilespmem:$0x18400] =	vst v63  }
.LBB2_8:
0x13a: {  	_ =	sfence.sel $0x180000  }
0x13b: {  	[bflag:$0x0] =	sbarrier.arrive $0xFFFF  }
0x13c: {  	_ =	strace $0x90000047  }
0x13d: {  	s0 =	stileid.u32;
	[bflag:$0x2] =	sbarrier.arrive $0xFFFF  }
0x13e: {  	p0 =	sne.s32 s0, $0x0;
	s0 =	rddreg [dreg:$0x3]  }
0x13f: {  	s0 =	sadd.s32 @!p0 $0x100000, s0  }
0x140: {  	[sflag:s0] =	ssyncadd.tile.s32 @!p0 $0x1;
	_ =	shalt  }
.Lfunc_end2:
_tile_overlayer_lowered:
.L_overlay_start_2:
0x141: {  	(tag) =	ssettag $0x2  }
0x142: {  	s0 =	rddreg [dreg:$0x0];
	s2 =	stileid.u32  }
0x143: {  	s1 =	rddreg [dreg:$0x1];
	p0 =	sne.s32 s2, $0x0  }
0x144: {  	s3 =	rddreg [dreg:$0x2];
	[bflag:$0x3] =	sbarrier.arrive $0xFFFF;
	s2 =	simm.s32 @!p0 $0x1C03  }
0x145: {  	[timem:s3], [sflag:s2] =	dma.local @!p0 [hbm:s0], s1  }
0x146: {  	s0 =	simm.s32 @!p0 $0x3  }
0x147: {  	_ =	swait.ge @!p0 [sflag:s0], s1  }
0x148: {  	s1 =	ssub.s32 @!p0 $0x0, s1;
	[sflag:s0] =	ssyncset.done @!p0 $0x0  }
0x149: {  	[sflag:s0] =	ssyncadd.s32 @!p0 s1  }
0x14a: {  	[bflag:$0x3] =	sbarrier.arrive $0xFFFF  }
0x14b: {  	_ =	shalt  }

</sc_bundles>
